<compile_context>
chip_gen: v7x
topology: tpu7x:2x2x1
jax: 0.10.2.dev20260603
libtpu: 0.0.44.dev20260713+nightly
codegen_flags: <defaults>
</compile_context>

<pallas_src>
import functools

import jax
import jax.numpy as jnp
from jax import lax
from jax.experimental import pallas as pl
from jax.experimental.pallas import tpu as pltpu
from jax.experimental.pallas import tpu_sc as plsc

B = 16384
NUM_ACTIONS = 6
NS, L = 16, 16
ROWS_PER_SUB = B // NS
CHUNKS = ROWS_PER_SUB // L

_LN2 = 0.6931471805599453
_SQRT2 = 1.4142135623730951


def _log_f32(x):
    xi = plsc.bitcast(x, jnp.int32)
    e = (xi >> 23) - 127
    m = plsc.bitcast((xi & 0x007FFFFF) | 0x3F800000, jnp.float32)
    big = m > _SQRT2
    m = jnp.where(big, m * 0.5, m)
    e = e + jnp.where(big, 1, 0)
    s = (m - 1.0) / (m + 1.0)
    z = s * s
    ln_m = s * (2.0 + z * (2.0 / 3.0 + z * (0.4 + z * (2.0 / 7.0))))
    return e.astype(jnp.float32) * _LN2 + ln_m


def _sc_body(
    q_hbm, a_hbm, r_hbm, out_hbm,
    q_v, a_v, r_v, acc_v, shared, sum_v, cnt, sem_q, sem_a, sem_r,
):
    sid = lax.axis_index("s")
    base = sid * ROWS_PER_SUB

    @pl.when(sid == 0)
    def _():
        cnt[0] = 0

    plsc.subcore_barrier()
    cq = pltpu.async_copy(
        q_hbm.at[pl.ds(base * NUM_ACTIONS, ROWS_PER_SUB * NUM_ACTIONS)], q_v, sem_q
    )
    ca = pltpu.async_copy(a_hbm.at[pl.ds(base, ROWS_PER_SUB)], a_v, sem_a)
    cr = pltpu.async_copy(r_hbm.at[pl.ds(base, ROWS_PER_SUB)], r_v, sem_r)
    cq.wait()
    ca.wait()
    cr.wait()

    def _chunk(c, acc):
        rows = c * L + lax.iota(jnp.int32, L)
        acts = a_v[pl.ds(c * L, L)]
        rew = r_v[pl.ds(c * L, L)]
        g = plsc.load_gather(q_v, [rows * NUM_ACTIONS + acts])
        return acc + _log_f32(g) * rew

    acc = lax.fori_loop(0, CHUNKS, _chunk, jnp.zeros((L,), jnp.float32), unroll=4)

    acc_v[...] = acc
    pltpu.sync_copy(acc_v, shared.at[pl.ds(sid * L, L)])
    plsc.fetch_and_add(cnt.at[0], jnp.int32(1), subcore_id=jnp.int32(0))

    @pl.when(sid == 0)
    def _():
        lax.while_loop(lambda c: c < NS, lambda c: cnt[0], cnt[0])

        pltpu.sync_copy(shared, sum_v)
        first = tuple(sum_v[pl.ds(i * L, L)] for i in range(NS))

        def _reread(carry):
            prev = carry[1:]
            pltpu.sync_copy(shared, sum_v)
            rows = tuple(sum_v[pl.ds(i * L, L)] for i in range(NS))
            stable = jnp.bool_(True)
            for p, r in zip(prev, rows):
                stable = jnp.logical_and(
                    stable,
                    jnp.all(plsc.bitcast(p, jnp.int32)
                            == plsc.bitcast(r, jnp.int32)),
                )
            return (stable,) + rows

        final = lax.while_loop(
            lambda c: jnp.logical_not(c[0]), _reread, (jnp.bool_(False),) + first
        )

        tot = final[1]
        for i in range(2, NS + 1):
            tot = tot + final[i]
        loss = jnp.sum(tot) * (-1.0 / B)
        acc_v[...] = jnp.full((L,), loss, jnp.float32)
        pltpu.sync_copy(acc_v, out_hbm)


_sc_loss = functools.partial(
    pl.kernel,
    mesh=plsc.VectorSubcoreMesh(core_axis_name="c", subcore_axis_name="s"),
    out_type=jax.ShapeDtypeStruct((L,), jnp.float32),
    compiler_params=pltpu.CompilerParams(needs_layout_passes=False),
    scratch_types=[
        pltpu.VMEM((ROWS_PER_SUB * NUM_ACTIONS,), jnp.float32),
        pltpu.VMEM((ROWS_PER_SUB,), jnp.int32),
        pltpu.VMEM((ROWS_PER_SUB,), jnp.float32),
        pltpu.VMEM((L,), jnp.float32),
        pltpu.VMEM_SHARED((NS * L,), jnp.float32),
        pltpu.VMEM((NS * L,), jnp.float32),
        pltpu.SMEM((1,), jnp.int32),
        pltpu.SemaphoreType.DMA,
        pltpu.SemaphoreType.DMA,
        pltpu.SemaphoreType.DMA,
    ],
)(_sc_body)


def kernel(q_pred, true_action, discounted_reward):
    out = _sc_loss(
        q_pred.reshape(B * NUM_ACTIONS), true_action.reshape(B), discounted_reward
    )
    return out[0]

# --- scband reference (transcript-rebuilt; emitter-appended) ---
"""Pipeline reference for scband-my-loss-2654289789272 (READ-ONLY COPY).

The authoritative reference and input builder live on the scoring server;
editing this copy changes nothing except your own understanding.
"""

import jax, jax.numpy as jnp
import numpy as np

NUM_ACTIONS = 6

def setup_inputs(seed=0) -> dict:
    key = jax.random.key(seed)
    k1, k2, k3 = jax.random.split(key, 3)
    B = 16384
    q_pred = jax.random.uniform(k1, (B, NUM_ACTIONS), dtype=jnp.float32, minval=1e-6, maxval=1.0)
    true_action = jax.random.randint(k2, (B, 1), 0, NUM_ACTIONS, dtype=jnp.int64 if jax.config.jax_enable_x64 else jnp.int32).astype(jnp.int32)
    discounted_reward = jax.random.normal(k3, (B,), dtype=jnp.float32)
    return {"q_pred": q_pred, "true_action": true_action, "discounted_reward": discounted_reward}

def reference(q_pred, true_action, discounted_reward):
    # torch: one_hot = zeros(B, 6).scatter_(1, true_action, 1)
    B = true_action.shape[0]
    one_hot = jnp.zeros((B, NUM_ACTIONS), dtype=q_pred.dtype).at[jnp.arange(B), true_action[:, 0]].set(1.0)
    neg_log_prob = jnp.sum(-jnp.log(q_pred) * one_hot, axis=1)
    loss = jnp.mean(neg_log_prob * discounted_reward)
    return loss

if __name__ == "__main__":
    import jax
    _d = setup_inputs()
    print(jax.jit(kernel)(*tuple(_d.values())))

</pallas_src>

<mosaic_0001>
#map = affine_map<(d0, d1) -> (0)>
module attributes {stable_mosaic.version = 14 : i64} {
  func.func @_sc_body(%arg0: i32, %arg1: i32, %arg2: memref<98304xf32, #tpu.memory_space<hbm>>, %arg3: memref<16384xi32, #tpu.memory_space<hbm>>, %arg4: memref<16384xf32, #tpu.memory_space<hbm>>, %arg5: memref<16xf32, #tpu.memory_space<hbm>>, %arg6: memref<6144xf32, #tpu.memory_space<vmem>>, %arg7: memref<1024xi32, #tpu.memory_space<vmem>>, %arg8: memref<1024xf32, #tpu.memory_space<vmem>>, %arg9: memref<16xf32, #tpu.memory_space<vmem>>, %arg10: memref<256xf32, #tpu.memory_space<vmem_shared>>, %arg11: memref<256xf32, #tpu.memory_space<vmem>>, %arg12: memref<1xi32, #tpu.memory_space<smem>>, %arg13: memref<!tpu.dma_semaphore, #tpu.memory_space<semaphore_mem>>, %arg14: memref<!tpu.dma_semaphore, #tpu.memory_space<semaphore_mem>>, %arg15: memref<!tpu.dma_semaphore, #tpu.memory_space<semaphore_mem>>) attributes {dimension_semantics = [#tpu.dimension_semantics<core_parallel>, #tpu.dimension_semantics<subcore_parallel>], iteration_bounds = array<i64: 2, 16>, scalar_prefetch = 0 : i64, scratch_operands = 10 : i64, tpu.core_type = #tpu.core_type<sc_vector_subcore>, window_params = [{transform_indices = #map}, {transform_indices = #map}, {transform_indices = #map}, {transform_indices = #map}]} {
    %mul3A = arith.constant 1024 : i32
    %mul3A_0 = arith.muli %arg1, %mul3A : i32
    %eq3A = arith.constant 0 : i32
    %eq3A_1 = arith.cmpi eq, %arg1, %eq3A : i32
    %convert_element_type3A = arith.extui %eq3A_1 : i1 to i32
    %cond3A = arith.constant 0 : i32
    %cond3A_2 = arith.cmpi ne, %convert_element_type3A, %cond3A : i32
    scf.if %cond3A_2 {
      %swap3A_32 = arith.constant 0 : i32
      %swap3A_33 = arith.constant 0 : i32
      %swap3A_34 = arith.index_cast %swap3A_33 : i32 to index
      %swap3A_35 = memref.load %arg12[%swap3A_34] : memref<1xi32, #tpu.memory_space<smem>>
      memref.store %swap3A_32, %arg12[%swap3A_34] : memref<1xi32, #tpu.memory_space<smem>>
    } else {
    }
    %barrier3A = arith.constant 0 : index
    tpu.barrier barrier_id(%barrier3A)
    %mul3A_3 = arith.constant 6 : i32
    %mul3A_4 = arith.muli %mul3A_0, %mul3A_3 : i32
    %dma_start3A = tpu.memref_slice %arg2[%mul3A_4] : memref<98304xf32, #tpu.memory_space<hbm>> -> memref<6144xf32, #tpu.memory_space<hbm>>
    %dma_start3A_5 = tpu.memref_slice %arg2[%mul3A_4] : memref<98304xf32, #tpu.memory_space<hbm>> -> memref<6144xf32, #tpu.memory_space<hbm>>
    tpu.enqueue_dma source(%dma_start3A_5 : memref<6144xf32, #tpu.memory_space<hbm>>) target(%arg6 : memref<6144xf32, #tpu.memory_space<vmem>>) target_semaphore(%arg13 : memref<!tpu.dma_semaphore, #tpu.memory_space<semaphore_mem>>)
    %dma_start3A_6 = tpu.memref_slice %arg3[%mul3A_0] : memref<16384xi32, #tpu.memory_space<hbm>> -> memref<1024xi32, #tpu.memory_space<hbm>>
    %dma_start3A_7 = tpu.memref_slice %arg3[%mul3A_0] : memref<16384xi32, #tpu.memory_space<hbm>> -> memref<1024xi32, #tpu.memory_space<hbm>>
    tpu.enqueue_dma source(%dma_start3A_7 : memref<1024xi32, #tpu.memory_space<hbm>>) target(%arg7 : memref<1024xi32, #tpu.memory_space<vmem>>) target_semaphore(%arg14 : memref<!tpu.dma_semaphore, #tpu.memory_space<semaphore_mem>>)
    %dma_start3A_8 = tpu.memref_slice %arg4[%mul3A_0] : memref<16384xf32, #tpu.memory_space<hbm>> -> memref<1024xf32, #tpu.memory_space<hbm>>
    %dma_start3A_9 = tpu.memref_slice %arg4[%mul3A_0] : memref<16384xf32, #tpu.memory_space<hbm>> -> memref<1024xf32, #tpu.memory_space<hbm>>
    tpu.enqueue_dma source(%dma_start3A_9 : memref<1024xf32, #tpu.memory_space<hbm>>) target(%arg8 : memref<1024xf32, #tpu.memory_space<vmem>>) target_semaphore(%arg15 : memref<!tpu.dma_semaphore, #tpu.memory_space<semaphore_mem>>)
    %dma_wait3A = tpu.memref_slice %arg2[%mul3A_4] : memref<98304xf32, #tpu.memory_space<hbm>> -> memref<6144xf32, #tpu.memory_space<hbm>>
    %dma_wait3A_10 = tpu.memref_slice %arg2[%mul3A_4] : memref<98304xf32, #tpu.memory_space<hbm>> -> memref<6144xf32, #tpu.memory_space<hbm>>
    tpu.wait_dma2 semaphore(%arg13 : memref<!tpu.dma_semaphore, #tpu.memory_space<semaphore_mem>>) src(%dma_wait3A_10 : memref<6144xf32, #tpu.memory_space<hbm>>) dst(%arg6 : memref<6144xf32, #tpu.memory_space<vmem>>)
    %dma_wait3A_11 = tpu.memref_slice %arg3[%mul3A_0] : memref<16384xi32, #tpu.memory_space<hbm>> -> memref<1024xi32, #tpu.memory_space<hbm>>
    %dma_wait3A_12 = tpu.memref_slice %arg3[%mul3A_0] : memref<16384xi32, #tpu.memory_space<hbm>> -> memref<1024xi32, #tpu.memory_space<hbm>>
    tpu.wait_dma2 semaphore(%arg14 : memref<!tpu.dma_semaphore, #tpu.memory_space<semaphore_mem>>) src(%dma_wait3A_12 : memref<1024xi32, #tpu.memory_space<hbm>>) dst(%arg7 : memref<1024xi32, #tpu.memory_space<vmem>>)
    %dma_wait3A_13 = tpu.memref_slice %arg4[%mul3A_0] : memref<16384xf32, #tpu.memory_space<hbm>> -> memref<1024xf32, #tpu.memory_space<hbm>>
    %dma_wait3A_14 = tpu.memref_slice %arg4[%mul3A_0] : memref<16384xf32, #tpu.memory_space<hbm>> -> memref<1024xf32, #tpu.memory_space<hbm>>
    tpu.wait_dma2 semaphore(%arg15 : memref<!tpu.dma_semaphore, #tpu.memory_space<semaphore_mem>>) src(%dma_wait3A_14 : memref<1024xf32, #tpu.memory_space<hbm>>) dst(%arg8 : memref<1024xf32, #tpu.memory_space<vmem>>)
    %broadcast_in_dim3A = arith.constant 0.000000e+00 : f32
    %broadcast_in_dim3A_15 = vector.broadcast %broadcast_in_dim3A : f32 to vector<16xf32>
    %scan3A = arith.constant 0 : i32
    %scan3A_16 = arith.constant 64 : i32
    %scan3A_17 = arith.addi %scan3A, %scan3A_16 : i32
    %scan3A_18 = arith.constant 4 : i32
    %scan3A_19 = scf.for %scan3A_32 = %scan3A to %scan3A_17 step %scan3A_18 iter_args(%scan3A_33 = %broadcast_in_dim3A_15) -> (vector<16xf32>)  : i32 {
      %mul3A_34 = arith.constant 16 : i32
      %mul3A_35 = arith.muli %scan3A_32, %mul3A_34 : i32
      %iota3A = tpu.iota {dimensions = array<i32: 0>} : vector<16xi32>
      %add3A = vector.broadcast %mul3A_35 : i32 to vector<16xi32>
      %add3A_36 = arith.addi %add3A, %iota3A : vector<16xi32>
      %mul3A_37 = arith.constant 16 : i32
      %mul3A_38 = arith.muli %scan3A_32, %mul3A_37 : i32
      %get3A = arith.index_cast %mul3A_38 : i32 to index
      %get3A_39 = tpu.vector_load %arg7[%get3A] {strides = array<i32>} : memref<1024xi32, #tpu.memory_space<vmem>>, vector<16xi32>,
      %mul3A_40 = arith.constant 16 : i32
      %mul3A_41 = arith.muli %scan3A_32, %mul3A_40 : i32
      %get3A_42 = arith.index_cast %mul3A_41 : i32 to index
      %get3A_43 = tpu.vector_load %arg8[%get3A_42] {strides = array<i32>} : memref<1024xf32, #tpu.memory_space<vmem>>, vector<16xf32>,
      %mul3A_44 = arith.constant 6 : i32
      %mul3A_45 = vector.broadcast %mul3A_44 : i32 to vector<16xi32>
      %mul3A_46 = arith.muli %add3A_36, %mul3A_45 : vector<16xi32>
      %add3A_47 = arith.addi %mul3A_46, %get3A_39 : vector<16xi32>
      %gather3A = tpu.vector_load_idx %arg6[%add3A_47] : memref<6144xf32, #tpu.memory_space<vmem>>[vector<16xi32>], vector<16xf32>,
      %bitcast3A = vector.bitcast %gather3A : vector<16xf32> to vector<16xi32>
      %shift_right_arithmetic3A = arith.constant 23 : i32
      %shift_right_arithmetic3A_48 = vector.broadcast %shift_right_arithmetic3A : i32 to vector<16xi32>
      %shift_right_arithmetic3A_49 = arith.shrsi %bitcast3A, %shift_right_arithmetic3A_48 : vector<16xi32>
      %sub3A = arith.constant 127 : i32
      %sub3A_50 = vector.broadcast %sub3A : i32 to vector<16xi32>
      %sub3A_51 = arith.subi %shift_right_arithmetic3A_49, %sub3A_50 : vector<16xi32>
      %and3A = arith.constant 8388607 : i32
      %and3A_52 = vector.broadcast %and3A : i32 to vector<16xi32>
      %and3A_53 = arith.andi %bitcast3A, %and3A_52 : vector<16xi32>
      %or3A = arith.constant 1065353216 : i32
      %or3A_54 = vector.broadcast %or3A : i32 to vector<16xi32>
      %or3A_55 = arith.ori %and3A_53, %or3A_54 : vector<16xi32>
      %bitcast3A_56 = vector.bitcast %or3A_55 : vector<16xi32> to vector<16xf32>
      %gt3A = arith.constant 1.41421354 : f32
      %gt3A_57 = vector.broadcast %gt3A : f32 to vector<16xf32>
      %gt3A_58 = arith.cmpf ogt, %bitcast3A_56, %gt3A_57 : vector<16xf32>
      %mul3A_59 = arith.constant 5.000000e-01 : f32
      %mul3A_60 = vector.broadcast %mul3A_59 : f32 to vector<16xf32>
      %mul3A_61 = arith.mulf %bitcast3A_56, %mul3A_60 : vector<16xf32>
      %select_n3A = arith.select %gt3A_58, %mul3A_61, %bitcast3A_56 : vector<16xi1>, vector<16xf32>
      %jit3A = arith.constant 1 : i32
      %jit3A_62 = arith.constant 0 : i32
      %broadcast_in_dim3A_63 = vector.broadcast %jit3A : i32 to vector<16xi32>
      %broadcast_in_dim3A_64 = vector.broadcast %jit3A_62 : i32 to vector<16xi32>
      %select_n3A_65 = arith.select %gt3A_58, %broadcast_in_dim3A_63, %broadcast_in_dim3A_64 : vector<16xi1>, vector<16xi32>
      %add3A_66 = arith.addi %sub3A_51, %select_n3A_65 : vector<16xi32>
      %sub3A_67 = arith.constant 1.000000e+00 : f32
      %sub3A_68 = vector.broadcast %sub3A_67 : f32 to vector<16xf32>
      %sub3A_69 = arith.subf %select_n3A, %sub3A_68 : vector<16xf32>
      %add3A_70 = arith.constant 1.000000e+00 : f32
      %add3A_71 = vector.broadcast %add3A_70 : f32 to vector<16xf32>
      %add3A_72 = arith.addf %select_n3A, %add3A_71 : vector<16xf32>
      %div3A = arith.divf %sub3A_69, %add3A_72 : vector<16xf32>
      %mul3A_73 = arith.mulf %div3A, %div3A : vector<16xf32>
      %mul3A_74 = arith.constant 0.285714298 : f32
      %mul3A_75 = vector.broadcast %mul3A_74 : f32 to vector<16xf32>
      %mul3A_76 = arith.mulf %mul3A_73, %mul3A_75 : vector<16xf32>
      %add3A_77 = arith.constant 4.000000e-01 : f32
      %add3A_78 = vector.broadcast %add3A_77 : f32 to vector<16xf32>
      %add3A_79 = arith.addf %add3A_78, %mul3A_76 : vector<16xf32>
      %mul3A_80 = arith.mulf %mul3A_73, %add3A_79 : vector<16xf32>
      %add3A_81 = arith.constant 0.666666686 : f32
      %add3A_82 = vector.broadcast %add3A_81 : f32 to vector<16xf32>
      %add3A_83 = arith.addf %add3A_82, %mul3A_80 : vector<16xf32>
      %mul3A_84 = arith.mulf %mul3A_73, %add3A_83 : vector<16xf32>
      %add3A_85 = arith.constant 2.000000e+00 : f32
      %add3A_86 = vector.broadcast %add3A_85 : f32 to vector<16xf32>
      %add3A_87 = arith.addf %add3A_86, %mul3A_84 : vector<16xf32>
      %mul3A_88 = arith.mulf %div3A, %add3A_87 : vector<16xf32>
      %convert_element_type3A_89 = arith.sitofp %add3A_66 : vector<16xi32> to vector<16xf32>
      %mul3A_90 = arith.constant 0.693147182 : f32
      %mul3A_91 = vector.broadcast %mul3A_90 : f32 to vector<16xf32>
      %mul3A_92 = arith.mulf %convert_element_type3A_89, %mul3A_91 : vector<16xf32>
      %add3A_93 = arith.addf %mul3A_92, %mul3A_88 : vector<16xf32>
      %mul3A_94 = arith.mulf %add3A_93, %get3A_43 : vector<16xf32>
      %add3A_95 = arith.addf %scan3A_33, %mul3A_94 : vector<16xf32>
      %scan3A_96 = arith.constant 1 : i32
      %scan3A_97 = arith.addi %scan3A_32, %scan3A_96 : i32
      %mul3A_98 = arith.constant 16 : i32
      %mul3A_99 = arith.muli %scan3A_97, %mul3A_98 : i32
      %iota3A_100 = tpu.iota {dimensions = array<i32: 0>} : vector<16xi32>
      %add3A_101 = vector.broadcast %mul3A_99 : i32 to vector<16xi32>
      %add3A_102 = arith.addi %add3A_101, %iota3A_100 : vector<16xi32>
      %mul3A_103 = arith.constant 16 : i32
      %mul3A_104 = arith.muli %scan3A_97, %mul3A_103 : i32
      %get3A_105 = arith.index_cast %mul3A_104 : i32 to index
      %get3A_106 = tpu.vector_load %arg7[%get3A_105] {strides = array<i32>} : memref<1024xi32, #tpu.memory_space<vmem>>, vector<16xi32>,
      %mul3A_107 = arith.constant 16 : i32
      %mul3A_108 = arith.muli %scan3A_97, %mul3A_107 : i32
      %get3A_109 = arith.index_cast %mul3A_108 : i32 to index
      %get3A_110 = tpu.vector_load %arg8[%get3A_109] {strides = array<i32>} : memref<1024xf32, #tpu.memory_space<vmem>>, vector<16xf32>,
      %mul3A_111 = arith.constant 6 : i32
      %mul3A_112 = vector.broadcast %mul3A_111 : i32 to vector<16xi32>
      %mul3A_113 = arith.muli %add3A_102, %mul3A_112 : vector<16xi32>
      %add3A_114 = arith.addi %mul3A_113, %get3A_106 : vector<16xi32>
      %gather3A_115 = tpu.vector_load_idx %arg6[%add3A_114] : memref<6144xf32, #tpu.memory_space<vmem>>[vector<16xi32>], vector<16xf32>,
      %bitcast3A_116 = vector.bitcast %gather3A_115 : vector<16xf32> to vector<16xi32>
      %shift_right_arithmetic3A_117 = arith.constant 23 : i32
      %shift_right_arithmetic3A_118 = vector.broadcast %shift_right_arithmetic3A_117 : i32 to vector<16xi32>
      %shift_right_arithmetic3A_119 = arith.shrsi %bitcast3A_116, %shift_right_arithmetic3A_118 : vector<16xi32>
      %sub3A_120 = arith.constant 127 : i32
      %sub3A_121 = vector.broadcast %sub3A_120 : i32 to vector<16xi32>
      %sub3A_122 = arith.subi %shift_right_arithmetic3A_119, %sub3A_121 : vector<16xi32>
      %and3A_123 = arith.constant 8388607 : i32
      %and3A_124 = vector.broadcast %and3A_123 : i32 to vector<16xi32>
      %and3A_125 = arith.andi %bitcast3A_116, %and3A_124 : vector<16xi32>
      %or3A_126 = arith.constant 1065353216 : i32
      %or3A_127 = vector.broadcast %or3A_126 : i32 to vector<16xi32>
      %or3A_128 = arith.ori %and3A_125, %or3A_127 : vector<16xi32>
      %bitcast3A_129 = vector.bitcast %or3A_128 : vector<16xi32> to vector<16xf32>
      %gt3A_130 = arith.constant 1.41421354 : f32
      %gt3A_131 = vector.broadcast %gt3A_130 : f32 to vector<16xf32>
      %gt3A_132 = arith.cmpf ogt, %bitcast3A_129, %gt3A_131 : vector<16xf32>
      %mul3A_133 = arith.constant 5.000000e-01 : f32
      %mul3A_134 = vector.broadcast %mul3A_133 : f32 to vector<16xf32>
      %mul3A_135 = arith.mulf %bitcast3A_129, %mul3A_134 : vector<16xf32>
      %select_n3A_136 = arith.select %gt3A_132, %mul3A_135, %bitcast3A_129 : vector<16xi1>, vector<16xf32>
      %jit3A_137 = arith.constant 1 : i32
      %jit3A_138 = arith.constant 0 : i32
      %broadcast_in_dim3A_139 = vector.broadcast %jit3A_137 : i32 to vector<16xi32>
      %broadcast_in_dim3A_140 = vector.broadcast %jit3A_138 : i32 to vector<16xi32>
      %select_n3A_141 = arith.select %gt3A_132, %broadcast_in_dim3A_139, %broadcast_in_dim3A_140 : vector<16xi1>, vector<16xi32>
      %add3A_142 = arith.addi %sub3A_122, %select_n3A_141 : vector<16xi32>
      %sub3A_143 = arith.constant 1.000000e+00 : f32
      %sub3A_144 = vector.broadcast %sub3A_143 : f32 to vector<16xf32>
      %sub3A_145 = arith.subf %select_n3A_136, %sub3A_144 : vector<16xf32>
      %add3A_146 = arith.constant 1.000000e+00 : f32
      %add3A_147 = vector.broadcast %add3A_146 : f32 to vector<16xf32>
      %add3A_148 = arith.addf %select_n3A_136, %add3A_147 : vector<16xf32>
      %div3A_149 = arith.divf %sub3A_145, %add3A_148 : vector<16xf32>
      %mul3A_150 = arith.mulf %div3A_149, %div3A_149 : vector<16xf32>
      %mul3A_151 = arith.constant 0.285714298 : f32
      %mul3A_152 = vector.broadcast %mul3A_151 : f32 to vector<16xf32>
      %mul3A_153 = arith.mulf %mul3A_150, %mul3A_152 : vector<16xf32>
      %add3A_154 = arith.constant 4.000000e-01 : f32
      %add3A_155 = vector.broadcast %add3A_154 : f32 to vector<16xf32>
      %add3A_156 = arith.addf %add3A_155, %mul3A_153 : vector<16xf32>
      %mul3A_157 = arith.mulf %mul3A_150, %add3A_156 : vector<16xf32>
      %add3A_158 = arith.constant 0.666666686 : f32
      %add3A_159 = vector.broadcast %add3A_158 : f32 to vector<16xf32>
      %add3A_160 = arith.addf %add3A_159, %mul3A_157 : vector<16xf32>
      %mul3A_161 = arith.mulf %mul3A_150, %add3A_160 : vector<16xf32>
      %add3A_162 = arith.constant 2.000000e+00 : f32
      %add3A_163 = vector.broadcast %add3A_162 : f32 to vector<16xf32>
      %add3A_164 = arith.addf %add3A_163, %mul3A_161 : vector<16xf32>
      %mul3A_165 = arith.mulf %div3A_149, %add3A_164 : vector<16xf32>
      %convert_element_type3A_166 = arith.sitofp %add3A_142 : vector<16xi32> to vector<16xf32>
      %mul3A_167 = arith.constant 0.693147182 : f32
      %mul3A_168 = vector.broadcast %mul3A_167 : f32 to vector<16xf32>
      %mul3A_169 = arith.mulf %convert_element_type3A_166, %mul3A_168 : vector<16xf32>
      %add3A_170 = arith.addf %mul3A_169, %mul3A_165 : vector<16xf32>
      %mul3A_171 = arith.mulf %add3A_170, %get3A_110 : vector<16xf32>
      %add3A_172 = arith.addf %add3A_95, %mul3A_171 : vector<16xf32>
      %scan3A_173 = arith.constant 2 : i32
      %scan3A_174 = arith.addi %scan3A_32, %scan3A_173 : i32
      %mul3A_175 = arith.constant 16 : i32
      %mul3A_176 = arith.muli %scan3A_174, %mul3A_175 : i32
      %iota3A_177 = tpu.iota {dimensions = array<i32: 0>} : vector<16xi32>
      %add3A_178 = vector.broadcast %mul3A_176 : i32 to vector<16xi32>
      %add3A_179 = arith.addi %add3A_178, %iota3A_177 : vector<16xi32>
      %mul3A_180 = arith.constant 16 : i32
      %mul3A_181 = arith.muli %scan3A_174, %mul3A_180 : i32
      %get3A_182 = arith.index_cast %mul3A_181 : i32 to index
      %get3A_183 = tpu.vector_load %arg7[%get3A_182] {strides = array<i32>} : memref<1024xi32, #tpu.memory_space<vmem>>, vector<16xi32>,
      %mul3A_184 = arith.constant 16 : i32
      %mul3A_185 = arith.muli %scan3A_174, %mul3A_184 : i32
      %get3A_186 = arith.index_cast %mul3A_185 : i32 to index
      %get3A_187 = tpu.vector_load %arg8[%get3A_186] {strides = array<i32>} : memref<1024xf32, #tpu.memory_space<vmem>>, vector<16xf32>,
      %mul3A_188 = arith.constant 6 : i32
      %mul3A_189 = vector.broadcast %mul3A_188 : i32 to vector<16xi32>
      %mul3A_190 = arith.muli %add3A_179, %mul3A_189 : vector<16xi32>
      %add3A_191 = arith.addi %mul3A_190, %get3A_183 : vector<16xi32>
      %gather3A_192 = tpu.vector_load_idx %arg6[%add3A_191] : memref<6144xf32, #tpu.memory_space<vmem>>[vector<16xi32>], vector<16xf32>,
      %bitcast3A_193 = vector.bitcast %gather3A_192 : vector<16xf32> to vector<16xi32>
      %shift_right_arithmetic3A_194 = arith.constant 23 : i32
      %shift_right_arithmetic3A_195 = vector.broadcast %shift_right_arithmetic3A_194 : i32 to vector<16xi32>
      %shift_right_arithmetic3A_196 = arith.shrsi %bitcast3A_193, %shift_right_arithmetic3A_195 : vector<16xi32>
      %sub3A_197 = arith.constant 127 : i32
      %sub3A_198 = vector.broadcast %sub3A_197 : i32 to vector<16xi32>
      %sub3A_199 = arith.subi %shift_right_arithmetic3A_196, %sub3A_198 : vector<16xi32>
      %and3A_200 = arith.constant 8388607 : i32
      %and3A_201 = vector.broadcast %and3A_200 : i32 to vector<16xi32>
      %and3A_202 = arith.andi %bitcast3A_193, %and3A_201 : vector<16xi32>
      %or3A_203 = arith.constant 1065353216 : i32
      %or3A_204 = vector.broadcast %or3A_203 : i32 to vector<16xi32>
      %or3A_205 = arith.ori %and3A_202, %or3A_204 : vector<16xi32>
      %bitcast3A_206 = vector.bitcast %or3A_205 : vector<16xi32> to vector<16xf32>
      %gt3A_207 = arith.constant 1.41421354 : f32
      %gt3A_208 = vector.broadcast %gt3A_207 : f32 to vector<16xf32>
      %gt3A_209 = arith.cmpf ogt, %bitcast3A_206, %gt3A_208 : vector<16xf32>
      %mul3A_210 = arith.constant 5.000000e-01 : f32
      %mul3A_211 = vector.broadcast %mul3A_210 : f32 to vector<16xf32>
      %mul3A_212 = arith.mulf %bitcast3A_206, %mul3A_211 : vector<16xf32>
      %select_n3A_213 = arith.select %gt3A_209, %mul3A_212, %bitcast3A_206 : vector<16xi1>, vector<16xf32>
      %jit3A_214 = arith.constant 1 : i32
      %jit3A_215 = arith.constant 0 : i32
      %broadcast_in_dim3A_216 = vector.broadcast %jit3A_214 : i32 to vector<16xi32>
      %broadcast_in_dim3A_217 = vector.broadcast %jit3A_215 : i32 to vector<16xi32>
      %select_n3A_218 = arith.select %gt3A_209, %broadcast_in_dim3A_216, %broadcast_in_dim3A_217 : vector<16xi1>, vector<16xi32>
      %add3A_219 = arith.addi %sub3A_199, %select_n3A_218 : vector<16xi32>
      %sub3A_220 = arith.constant 1.000000e+00 : f32
      %sub3A_221 = vector.broadcast %sub3A_220 : f32 to vector<16xf32>
      %sub3A_222 = arith.subf %select_n3A_213, %sub3A_221 : vector<16xf32>
      %add3A_223 = arith.constant 1.000000e+00 : f32
      %add3A_224 = vector.broadcast %add3A_223 : f32 to vector<16xf32>
      %add3A_225 = arith.addf %select_n3A_213, %add3A_224 : vector<16xf32>
      %div3A_226 = arith.divf %sub3A_222, %add3A_225 : vector<16xf32>
      %mul3A_227 = arith.mulf %div3A_226, %div3A_226 : vector<16xf32>
      %mul3A_228 = arith.constant 0.285714298 : f32
      %mul3A_229 = vector.broadcast %mul3A_228 : f32 to vector<16xf32>
      %mul3A_230 = arith.mulf %mul3A_227, %mul3A_229 : vector<16xf32>
      %add3A_231 = arith.constant 4.000000e-01 : f32
      %add3A_232 = vector.broadcast %add3A_231 : f32 to vector<16xf32>
      %add3A_233 = arith.addf %add3A_232, %mul3A_230 : vector<16xf32>
      %mul3A_234 = arith.mulf %mul3A_227, %add3A_233 : vector<16xf32>
      %add3A_235 = arith.constant 0.666666686 : f32
      %add3A_236 = vector.broadcast %add3A_235 : f32 to vector<16xf32>
      %add3A_237 = arith.addf %add3A_236, %mul3A_234 : vector<16xf32>
      %mul3A_238 = arith.mulf %mul3A_227, %add3A_237 : vector<16xf32>
      %add3A_239 = arith.constant 2.000000e+00 : f32
      %add3A_240 = vector.broadcast %add3A_239 : f32 to vector<16xf32>
      %add3A_241 = arith.addf %add3A_240, %mul3A_238 : vector<16xf32>
      %mul3A_242 = arith.mulf %div3A_226, %add3A_241 : vector<16xf32>
      %convert_element_type3A_243 = arith.sitofp %add3A_219 : vector<16xi32> to vector<16xf32>
      %mul3A_244 = arith.constant 0.693147182 : f32
      %mul3A_245 = vector.broadcast %mul3A_244 : f32 to vector<16xf32>
      %mul3A_246 = arith.mulf %convert_element_type3A_243, %mul3A_245 : vector<16xf32>
      %add3A_247 = arith.addf %mul3A_246, %mul3A_242 : vector<16xf32>
      %mul3A_248 = arith.mulf %add3A_247, %get3A_187 : vector<16xf32>
      %add3A_249 = arith.addf %add3A_172, %mul3A_248 : vector<16xf32>
      %scan3A_250 = arith.constant 3 : i32
      %scan3A_251 = arith.addi %scan3A_32, %scan3A_250 : i32
      %mul3A_252 = arith.constant 16 : i32
      %mul3A_253 = arith.muli %scan3A_251, %mul3A_252 : i32
      %iota3A_254 = tpu.iota {dimensions = array<i32: 0>} : vector<16xi32>
      %add3A_255 = vector.broadcast %mul3A_253 : i32 to vector<16xi32>
      %add3A_256 = arith.addi %add3A_255, %iota3A_254 : vector<16xi32>
      %mul3A_257 = arith.constant 16 : i32
      %mul3A_258 = arith.muli %scan3A_251, %mul3A_257 : i32
      %get3A_259 = arith.index_cast %mul3A_258 : i32 to index
      %get3A_260 = tpu.vector_load %arg7[%get3A_259] {strides = array<i32>} : memref<1024xi32, #tpu.memory_space<vmem>>, vector<16xi32>,
      %mul3A_261 = arith.constant 16 : i32
      %mul3A_262 = arith.muli %scan3A_251, %mul3A_261 : i32
      %get3A_263 = arith.index_cast %mul3A_262 : i32 to index
      %get3A_264 = tpu.vector_load %arg8[%get3A_263] {strides = array<i32>} : memref<1024xf32, #tpu.memory_space<vmem>>, vector<16xf32>,
      %mul3A_265 = arith.constant 6 : i32
      %mul3A_266 = vector.broadcast %mul3A_265 : i32 to vector<16xi32>
      %mul3A_267 = arith.muli %add3A_256, %mul3A_266 : vector<16xi32>
      %add3A_268 = arith.addi %mul3A_267, %get3A_260 : vector<16xi32>
      %gather3A_269 = tpu.vector_load_idx %arg6[%add3A_268] : memref<6144xf32, #tpu.memory_space<vmem>>[vector<16xi32>], vector<16xf32>,
      %bitcast3A_270 = vector.bitcast %gather3A_269 : vector<16xf32> to vector<16xi32>
      %shift_right_arithmetic3A_271 = arith.constant 23 : i32
      %shift_right_arithmetic3A_272 = vector.broadcast %shift_right_arithmetic3A_271 : i32 to vector<16xi32>
      %shift_right_arithmetic3A_273 = arith.shrsi %bitcast3A_270, %shift_right_arithmetic3A_272 : vector<16xi32>
      %sub3A_274 = arith.constant 127 : i32
      %sub3A_275 = vector.broadcast %sub3A_274 : i32 to vector<16xi32>
      %sub3A_276 = arith.subi %shift_right_arithmetic3A_273, %sub3A_275 : vector<16xi32>
      %and3A_277 = arith.constant 8388607 : i32
      %and3A_278 = vector.broadcast %and3A_277 : i32 to vector<16xi32>
      %and3A_279 = arith.andi %bitcast3A_270, %and3A_278 : vector<16xi32>
      %or3A_280 = arith.constant 1065353216 : i32
      %or3A_281 = vector.broadcast %or3A_280 : i32 to vector<16xi32>
      %or3A_282 = arith.ori %and3A_279, %or3A_281 : vector<16xi32>
      %bitcast3A_283 = vector.bitcast %or3A_282 : vector<16xi32> to vector<16xf32>
      %gt3A_284 = arith.constant 1.41421354 : f32
      %gt3A_285 = vector.broadcast %gt3A_284 : f32 to vector<16xf32>
      %gt3A_286 = arith.cmpf ogt, %bitcast3A_283, %gt3A_285 : vector<16xf32>
      %mul3A_287 = arith.constant 5.000000e-01 : f32
      %mul3A_288 = vector.broadcast %mul3A_287 : f32 to vector<16xf32>
      %mul3A_289 = arith.mulf %bitcast3A_283, %mul3A_288 : vector<16xf32>
      %select_n3A_290 = arith.select %gt3A_286, %mul3A_289, %bitcast3A_283 : vector<16xi1>, vector<16xf32>
      %jit3A_291 = arith.constant 1 : i32
      %jit3A_292 = arith.constant 0 : i32
      %broadcast_in_dim3A_293 = vector.broadcast %jit3A_291 : i32 to vector<16xi32>
      %broadcast_in_dim3A_294 = vector.broadcast %jit3A_292 : i32 to vector<16xi32>
      %select_n3A_295 = arith.select %gt3A_286, %broadcast_in_dim3A_293, %broadcast_in_dim3A_294 : vector<16xi1>, vector<16xi32>
      %add3A_296 = arith.addi %sub3A_276, %select_n3A_295 : vector<16xi32>
      %sub3A_297 = arith.constant 1.000000e+00 : f32
      %sub3A_298 = vector.broadcast %sub3A_297 : f32 to vector<16xf32>
      %sub3A_299 = arith.subf %select_n3A_290, %sub3A_298 : vector<16xf32>
      %add3A_300 = arith.constant 1.000000e+00 : f32
      %add3A_301 = vector.broadcast %add3A_300 : f32 to vector<16xf32>
      %add3A_302 = arith.addf %select_n3A_290, %add3A_301 : vector<16xf32>
      %div3A_303 = arith.divf %sub3A_299, %add3A_302 : vector<16xf32>
      %mul3A_304 = arith.mulf %div3A_303, %div3A_303 : vector<16xf32>
      %mul3A_305 = arith.constant 0.285714298 : f32
      %mul3A_306 = vector.broadcast %mul3A_305 : f32 to vector<16xf32>
      %mul3A_307 = arith.mulf %mul3A_304, %mul3A_306 : vector<16xf32>
      %add3A_308 = arith.constant 4.000000e-01 : f32
      %add3A_309 = vector.broadcast %add3A_308 : f32 to vector<16xf32>
      %add3A_310 = arith.addf %add3A_309, %mul3A_307 : vector<16xf32>
      %mul3A_311 = arith.mulf %mul3A_304, %add3A_310 : vector<16xf32>
      %add3A_312 = arith.constant 0.666666686 : f32
      %add3A_313 = vector.broadcast %add3A_312 : f32 to vector<16xf32>
      %add3A_314 = arith.addf %add3A_313, %mul3A_311 : vector<16xf32>
      %mul3A_315 = arith.mulf %mul3A_304, %add3A_314 : vector<16xf32>
      %add3A_316 = arith.constant 2.000000e+00 : f32
      %add3A_317 = vector.broadcast %add3A_316 : f32 to vector<16xf32>
      %add3A_318 = arith.addf %add3A_317, %mul3A_315 : vector<16xf32>
      %mul3A_319 = arith.mulf %div3A_303, %add3A_318 : vector<16xf32>
      %convert_element_type3A_320 = arith.sitofp %add3A_296 : vector<16xi32> to vector<16xf32>
      %mul3A_321 = arith.constant 0.693147182 : f32
      %mul3A_322 = vector.broadcast %mul3A_321 : f32 to vector<16xf32>
      %mul3A_323 = arith.mulf %convert_element_type3A_320, %mul3A_322 : vector<16xf32>
      %add3A_324 = arith.addf %mul3A_323, %mul3A_319 : vector<16xf32>
      %mul3A_325 = arith.mulf %add3A_324, %get3A_264 : vector<16xf32>
      %add3A_326 = arith.addf %add3A_249, %mul3A_325 : vector<16xf32>
      scf.yield %add3A_326 : vector<16xf32>
    }
    %scan3A_20 = arith.constant 64 : i32
    %swap3A = arith.constant 0 : index
    %swap3A_21 = tpu.vector_load %arg9[%swap3A] {strides = array<i32>} : memref<16xf32, #tpu.memory_space<vmem>>, vector<16xf32>,
    tpu.vector_store %arg9[%swap3A], %scan3A_19 {strides = array<i32>} : memref<16xf32, #tpu.memory_space<vmem>>, vector<16xf32>,
    %mul3A_22 = arith.constant 16 : i32
    %mul3A_23 = arith.muli %arg1, %mul3A_22 : i32
    "tpu.region"() ({
      %run_scoped3A = tpu.sem_alloc : memref<!tpu.dma_semaphore, #tpu.memory_space<semaphore_mem>>
      %dma_start3A_32 = tpu.memref_slice %arg10[%mul3A_23] : memref<256xf32, #tpu.memory_space<vmem_shared>> -> memref<16xf32, #tpu.memory_space<vmem_shared>>
      %dma_start3A_33 = tpu.memref_slice %arg10[%mul3A_23] : memref<256xf32, #tpu.memory_space<vmem_shared>> -> memref<16xf32, #tpu.memory_space<vmem_shared>>
      tpu.enqueue_dma source(%arg9 : memref<16xf32, #tpu.memory_space<vmem>>) target(%dma_start3A_33 : memref<16xf32, #tpu.memory_space<vmem_shared>>) target_semaphore(%run_scoped3A : memref<!tpu.dma_semaphore, #tpu.memory_space<semaphore_mem>>)
      %dma_wait3A_34 = tpu.memref_slice %arg10[%mul3A_23] : memref<256xf32, #tpu.memory_space<vmem_shared>> -> memref<16xf32, #tpu.memory_space<vmem_shared>>
      %dma_wait3A_35 = tpu.memref_slice %arg10[%mul3A_23] : memref<256xf32, #tpu.memory_space<vmem_shared>> -> memref<16xf32, #tpu.memory_space<vmem_shared>>
      tpu.wait_dma2 semaphore(%run_scoped3A : memref<!tpu.dma_semaphore, #tpu.memory_space<semaphore_mem>>) src(%arg9 : memref<16xf32, #tpu.memory_space<vmem>>) dst(%dma_wait3A_35 : memref<16xf32, #tpu.memory_space<vmem_shared>>)
      tpu.yield
    }) : () -> ()
    %sc_fetch_and_add3A = arith.constant 1 : i32
    %sc_fetch_and_add3A_24 = arith.constant 0 : i32
    %sc_fetch_and_add3A_25 = arith.constant 0 : i32
    %sc_fetch_and_add3A_26 = tpu.fetch_and_add_sync %arg12[%sc_fetch_and_add3A_24], %sc_fetch_and_add3A, %sc_fetch_and_add3A_25 : memref<1xi32, #tpu.memory_space<smem>>, i32 -> i32
    %eq3A_27 = arith.constant 0 : i32
    %eq3A_28 = arith.cmpi eq, %arg1, %eq3A_27 : i32
    %convert_element_type3A_29 = arith.extui %eq3A_28 : i1 to i32
    %cond3A_30 = arith.constant 0 : i32
    %cond3A_31 = arith.cmpi ne, %convert_element_type3A_29, %cond3A_30 : i32
    scf.if %cond3A_31 {
      %get3A = arith.constant 0 : i32
      %get3A_32 = arith.index_cast %get3A : i32 to index
      %get3A_33 = memref.load %arg12[%get3A_32] : memref<1xi32, #tpu.memory_space<smem>>
      %while3A = scf.while (%while3A_90 = %get3A_33) : (i32) -> i32 {
        %lt3A = arith.constant 16 : i32
        %lt3A_91 = arith.cmpi slt, %while3A_90, %lt3A : i32
        scf.condition(%lt3A_91) %while3A_90 : i32
      } do {
      ^bb0(%while3A_90: i32):
        %get3A_91 = arith.constant 0 : i32
        %get3A_92 = arith.index_cast %get3A_91 : i32 to index
        %get3A_93 = memref.load %arg12[%get3A_92] : memref<1xi32, #tpu.memory_space<smem>>
        scf.yield %get3A_93 : i32
      }
      "tpu.region"() ({
        %run_scoped3A = tpu.sem_alloc : memref<!tpu.dma_semaphore, #tpu.memory_space<semaphore_mem>>
        tpu.enqueue_dma source(%arg10 : memref<256xf32, #tpu.memory_space<vmem_shared>>) target(%arg11 : memref<256xf32, #tpu.memory_space<vmem>>) target_semaphore(%run_scoped3A : memref<!tpu.dma_semaphore, #tpu.memory_space<semaphore_mem>>)
        tpu.wait_dma2 semaphore(%run_scoped3A : memref<!tpu.dma_semaphore, #tpu.memory_space<semaphore_mem>>) src(%arg10 : memref<256xf32, #tpu.memory_space<vmem_shared>>) dst(%arg11 : memref<256xf32, #tpu.memory_space<vmem>>)
        tpu.yield
      }) : () -> ()
      %get3A_34 = arith.constant 0 : index
      %get3A_35 = tpu.vector_load %arg11[%get3A_34] {strides = array<i32>} : memref<256xf32, #tpu.memory_space<vmem>>, vector<16xf32>,
      %get3A_36 = arith.constant 16 : index
      %get3A_37 = tpu.vector_load %arg11[%get3A_36] {strides = array<i32>} : memref<256xf32, #tpu.memory_space<vmem>>, vector<16xf32>,
      %get3A_38 = arith.constant 32 : index
      %get3A_39 = tpu.vector_load %arg11[%get3A_38] {strides = array<i32>} : memref<256xf32, #tpu.memory_space<vmem>>, vector<16xf32>,
      %get3A_40 = arith.constant 48 : index
      %get3A_41 = tpu.vector_load %arg11[%get3A_40] {strides = array<i32>} : memref<256xf32, #tpu.memory_space<vmem>>, vector<16xf32>,
      %get3A_42 = arith.constant 64 : index
      %get3A_43 = tpu.vector_load %arg11[%get3A_42] {strides = array<i32>} : memref<256xf32, #tpu.memory_space<vmem>>, vector<16xf32>,
      %get3A_44 = arith.constant 80 : index
      %get3A_45 = tpu.vector_load %arg11[%get3A_44] {strides = array<i32>} : memref<256xf32, #tpu.memory_space<vmem>>, vector<16xf32>,
      %get3A_46 = arith.constant 96 : index
      %get3A_47 = tpu.vector_load %arg11[%get3A_46] {strides = array<i32>} : memref<256xf32, #tpu.memory_space<vmem>>, vector<16xf32>,
      %get3A_48 = arith.constant 112 : index
      %get3A_49 = tpu.vector_load %arg11[%get3A_48] {strides = array<i32>} : memref<256xf32, #tpu.memory_space<vmem>>, vector<16xf32>,
      %get3A_50 = arith.constant 128 : index
      %get3A_51 = tpu.vector_load %arg11[%get3A_50] {strides = array<i32>} : memref<256xf32, #tpu.memory_space<vmem>>, vector<16xf32>,
      %get3A_52 = arith.constant 144 : index
      %get3A_53 = tpu.vector_load %arg11[%get3A_52] {strides = array<i32>} : memref<256xf32, #tpu.memory_space<vmem>>, vector<16xf32>,
      %get3A_54 = arith.constant 160 : index
      %get3A_55 = tpu.vector_load %arg11[%get3A_54] {strides = array<i32>} : memref<256xf32, #tpu.memory_space<vmem>>, vector<16xf32>,
      %get3A_56 = arith.constant 176 : index
      %get3A_57 = tpu.vector_load %arg11[%get3A_56] {strides = array<i32>} : memref<256xf32, #tpu.memory_space<vmem>>, vector<16xf32>,
      %get3A_58 = arith.constant 192 : index
      %get3A_59 = tpu.vector_load %arg11[%get3A_58] {strides = array<i32>} : memref<256xf32, #tpu.memory_space<vmem>>, vector<16xf32>,
      %get3A_60 = arith.constant 208 : index
      %get3A_61 = tpu.vector_load %arg11[%get3A_60] {strides = array<i32>} : memref<256xf32, #tpu.memory_space<vmem>>, vector<16xf32>,
      %get3A_62 = arith.constant 224 : index
      %get3A_63 = tpu.vector_load %arg11[%get3A_62] {strides = array<i32>} : memref<256xf32, #tpu.memory_space<vmem>>, vector<16xf32>,
      %get3A_64 = arith.constant 240 : index
      %get3A_65 = tpu.vector_load %arg11[%get3A_64] {strides = array<i32>} : memref<256xf32, #tpu.memory_space<vmem>>, vector<16xf32>,
      %while3A_66 = arith.constant false
      %while3A_67:17 = scf.while (%while3A_90 = %while3A_66, %while3A_91 = %get3A_35, %while3A_92 = %get3A_37, %while3A_93 = %get3A_39, %while3A_94 = %get3A_41, %while3A_95 = %get3A_43, %while3A_96 = %get3A_45, %while3A_97 = %get3A_47, %while3A_98 = %get3A_49, %while3A_99 = %get3A_51, %while3A_100 = %get3A_53, %while3A_101 = %get3A_55, %while3A_102 = %get3A_57, %while3A_103 = %get3A_59, %while3A_104 = %get3A_61, %while3A_105 = %get3A_63, %while3A_106 = %get3A_65) : (i1, vector<16xf32>, vector<16xf32>, vector<16xf32>, vector<16xf32>, vector<16xf32>, vector<16xf32>, vector<16xf32>, vector<16xf32>, vector<16xf32>, vector<16xf32>, vector<16xf32>, vector<16xf32>, vector<16xf32>, vector<16xf32>, vector<16xf32>, vector<16xf32>) -> (i1, vector<16xf32>, vector<16xf32>, vector<16xf32>, vector<16xf32>, vector<16xf32>, vector<16xf32>, vector<16xf32>, vector<16xf32>, vector<16xf32>, vector<16xf32>, vector<16xf32>, vector<16xf32>, vector<16xf32>, vector<16xf32>, vector<16xf32>, vector<16xf32>) {
        %not3A = arith.constant true
        %not3A_107 = arith.xori %while3A_90, %not3A : i1
        scf.condition(%not3A_107) %while3A_90, %while3A_91, %while3A_92, %while3A_93, %while3A_94, %while3A_95, %while3A_96, %while3A_97, %while3A_98, %while3A_99, %while3A_100, %while3A_101, %while3A_102, %while3A_103, %while3A_104, %while3A_105, %while3A_106 : i1, vector<16xf32>, vector<16xf32>, vector<16xf32>, vector<16xf32>, vector<16xf32>, vector<16xf32>, vector<16xf32>, vector<16xf32>, vector<16xf32>, vector<16xf32>, vector<16xf32>, vector<16xf32>, vector<16xf32>, vector<16xf32>, vector<16xf32>, vector<16xf32>
      } do {
      ^bb0(%while3A_90: i1, %while3A_91: vector<16xf32>, %while3A_92: vector<16xf32>, %while3A_93: vector<16xf32>, %while3A_94: vector<16xf32>, %while3A_95: vector<16xf32>, %while3A_96: vector<16xf32>, %while3A_97: vector<16xf32>, %while3A_98: vector<16xf32>, %while3A_99: vector<16xf32>, %while3A_100: vector<16xf32>, %while3A_101: vector<16xf32>, %while3A_102: vector<16xf32>, %while3A_103: vector<16xf32>, %while3A_104: vector<16xf32>, %while3A_105: vector<16xf32>, %while3A_106: vector<16xf32>):
        "tpu.region"() ({
          %run_scoped3A = tpu.sem_alloc : memref<!tpu.dma_semaphore, #tpu.memory_space<semaphore_mem>>
          tpu.enqueue_dma source(%arg10 : memref<256xf32, #tpu.memory_space<vmem_shared>>) target(%arg11 : memref<256xf32, #tpu.memory_space<vmem>>) target_semaphore(%run_scoped3A : memref<!tpu.dma_semaphore, #tpu.memory_space<semaphore_mem>>)
          tpu.wait_dma2 semaphore(%run_scoped3A : memref<!tpu.dma_semaphore, #tpu.memory_space<semaphore_mem>>) src(%arg10 : memref<256xf32, #tpu.memory_space<vmem_shared>>) dst(%arg11 : memref<256xf32, #tpu.memory_space<vmem>>)
          tpu.yield
        }) : () -> ()
        %get3A_107 = arith.constant 0 : index
        %get3A_108 = tpu.vector_load %arg11[%get3A_107] {strides = array<i32>} : memref<256xf32, #tpu.memory_space<vmem>>, vector<16xf32>,
        %get3A_109 = arith.constant 16 : index
        %get3A_110 = tpu.vector_load %arg11[%get3A_109] {strides = array<i32>} : memref<256xf32, #tpu.memory_space<vmem>>, vector<16xf32>,
        %get3A_111 = arith.constant 32 : index
        %get3A_112 = tpu.vector_load %arg11[%get3A_111] {strides = array<i32>} : memref<256xf32, #tpu.memory_space<vmem>>, vector<16xf32>,
        %get3A_113 = arith.constant 48 : index
        %get3A_114 = tpu.vector_load %arg11[%get3A_113] {strides = array<i32>} : memref<256xf32, #tpu.memory_space<vmem>>, vector<16xf32>,
        %get3A_115 = arith.constant 64 : index
        %get3A_116 = tpu.vector_load %arg11[%get3A_115] {strides = array<i32>} : memref<256xf32, #tpu.memory_space<vmem>>, vector<16xf32>,
        %get3A_117 = arith.constant 80 : index
        %get3A_118 = tpu.vector_load %arg11[%get3A_117] {strides = array<i32>} : memref<256xf32, #tpu.memory_space<vmem>>, vector<16xf32>,
        %get3A_119 = arith.constant 96 : index
        %get3A_120 = tpu.vector_load %arg11[%get3A_119] {strides = array<i32>} : memref<256xf32, #tpu.memory_space<vmem>>, vector<16xf32>,
        %get3A_121 = arith.constant 112 : index
        %get3A_122 = tpu.vector_load %arg11[%get3A_121] {strides = array<i32>} : memref<256xf32, #tpu.memory_space<vmem>>, vector<16xf32>,
        %get3A_123 = arith.constant 128 : index
        %get3A_124 = tpu.vector_load %arg11[%get3A_123] {strides = array<i32>} : memref<256xf32, #tpu.memory_space<vmem>>, vector<16xf32>,
        %get3A_125 = arith.constant 144 : index
        %get3A_126 = tpu.vector_load %arg11[%get3A_125] {strides = array<i32>} : memref<256xf32, #tpu.memory_space<vmem>>, vector<16xf32>,
        %get3A_127 = arith.constant 160 : index
        %get3A_128 = tpu.vector_load %arg11[%get3A_127] {strides = array<i32>} : memref<256xf32, #tpu.memory_space<vmem>>, vector<16xf32>,
        %get3A_129 = arith.constant 176 : index
        %get3A_130 = tpu.vector_load %arg11[%get3A_129] {strides = array<i32>} : memref<256xf32, #tpu.memory_space<vmem>>, vector<16xf32>,
        %get3A_131 = arith.constant 192 : index
        %get3A_132 = tpu.vector_load %arg11[%get3A_131] {strides = array<i32>} : memref<256xf32, #tpu.memory_space<vmem>>, vector<16xf32>,
        %get3A_133 = arith.constant 208 : index
        %get3A_134 = tpu.vector_load %arg11[%get3A_133] {strides = array<i32>} : memref<256xf32, #tpu.memory_space<vmem>>, vector<16xf32>,
        %get3A_135 = arith.constant 224 : index
        %get3A_136 = tpu.vector_load %arg11[%get3A_135] {strides = array<i32>} : memref<256xf32, #tpu.memory_space<vmem>>, vector<16xf32>,
        %get3A_137 = arith.constant 240 : index
        %get3A_138 = tpu.vector_load %arg11[%get3A_137] {strides = array<i32>} : memref<256xf32, #tpu.memory_space<vmem>>, vector<16xf32>,
        %bitcast3A = vector.bitcast %while3A_91 : vector<16xf32> to vector<16xi32>
        %bitcast3A_139 = vector.bitcast %get3A_108 : vector<16xf32> to vector<16xi32>
        %eq3A_140 = arith.cmpi eq, %bitcast3A, %bitcast3A_139 : vector<16xi32>
        %reduce_and3A = arith.constant 1.000000e+00 : f32
        %reduce_and3A_141 = arith.constant 0.000000e+00 : f32
        %reduce_and3A_142 = vector.broadcast %reduce_and3A : f32 to vector<16xf32>
        %reduce_and3A_143 = vector.broadcast %reduce_and3A_141 : f32 to vector<16xf32>
        %reduce_and3A_144 = arith.select %eq3A_140, %reduce_and3A_142, %reduce_and3A_143 : vector<16xi1>, vector<16xf32>
        %reduce_and3A_145 = arith.constant true
        %reduce_and3A_146 = vector.broadcast %reduce_and3A_145 : i1 to vector<16xi1>
        %reduce_and3A_147 = tpu.scan <min>, %reduce_and3A_144 masked %reduce_and3A_146 : vector<16xf32>, vector<16xi1> -> vector<16xf32>
        %reduce_and3A_148 = vector.extract %reduce_and3A_147[15] : f32 from vector<16xf32>
        %reduce_and3A_149 = arith.constant 0.000000e+00 : f32
        %reduce_and3A_150 = arith.cmpf ogt, %reduce_and3A_148, %reduce_and3A_149 : f32
        %and3A = arith.constant true
        %and3A_151 = arith.andi %and3A, %reduce_and3A_150 : i1
        %bitcast3A_152 = vector.bitcast %while3A_92 : vector<16xf32> to vector<16xi32>
        %bitcast3A_153 = vector.bitcast %get3A_110 : vector<16xf32> to vector<16xi32>
        %eq3A_154 = arith.cmpi eq, %bitcast3A_152, %bitcast3A_153 : vector<16xi32>
        %reduce_and3A_155 = arith.constant 1.000000e+00 : f32
        %reduce_and3A_156 = arith.constant 0.000000e+00 : f32
        %reduce_and3A_157 = vector.broadcast %reduce_and3A_155 : f32 to vector<16xf32>
        %reduce_and3A_158 = vector.broadcast %reduce_and3A_156 : f32 to vector<16xf32>
        %reduce_and3A_159 = arith.select %eq3A_154, %reduce_and3A_157, %reduce_and3A_158 : vector<16xi1>, vector<16xf32>
        %reduce_and3A_160 = arith.constant true
        %reduce_and3A_161 = vector.broadcast %reduce_and3A_160 : i1 to vector<16xi1>
        %reduce_and3A_162 = tpu.scan <min>, %reduce_and3A_159 masked %reduce_and3A_161 : vector<16xf32>, vector<16xi1> -> vector<16xf32>
        %reduce_and3A_163 = vector.extract %reduce_and3A_162[15] : f32 from vector<16xf32>
        %reduce_and3A_164 = arith.constant 0.000000e+00 : f32
        %reduce_and3A_165 = arith.cmpf ogt, %reduce_and3A_163, %reduce_and3A_164 : f32
        %and3A_166 = arith.andi %and3A_151, %reduce_and3A_165 : i1
        %bitcast3A_167 = vector.bitcast %while3A_93 : vector<16xf32> to vector<16xi32>
        %bitcast3A_168 = vector.bitcast %get3A_112 : vector<16xf32> to vector<16xi32>
        %eq3A_169 = arith.cmpi eq, %bitcast3A_167, %bitcast3A_168 : vector<16xi32>
        %reduce_and3A_170 = arith.constant 1.000000e+00 : f32
        %reduce_and3A_171 = arith.constant 0.000000e+00 : f32
        %reduce_and3A_172 = vector.broadcast %reduce_and3A_170 : f32 to vector<16xf32>
        %reduce_and3A_173 = vector.broadcast %reduce_and3A_171 : f32 to vector<16xf32>
        %reduce_and3A_174 = arith.select %eq3A_169, %reduce_and3A_172, %reduce_and3A_173 : vector<16xi1>, vector<16xf32>
        %reduce_and3A_175 = arith.constant true
        %reduce_and3A_176 = vector.broadcast %reduce_and3A_175 : i1 to vector<16xi1>
        %reduce_and3A_177 = tpu.scan <min>, %reduce_and3A_174 masked %reduce_and3A_176 : vector<16xf32>, vector<16xi1> -> vector<16xf32>
        %reduce_and3A_178 = vector.extract %reduce_and3A_177[15] : f32 from vector<16xf32>
        %reduce_and3A_179 = arith.constant 0.000000e+00 : f32
        %reduce_and3A_180 = arith.cmpf ogt, %reduce_and3A_178, %reduce_and3A_179 : f32
        %and3A_181 = arith.andi %and3A_166, %reduce_and3A_180 : i1
        %bitcast3A_182 = vector.bitcast %while3A_94 : vector<16xf32> to vector<16xi32>
        %bitcast3A_183 = vector.bitcast %get3A_114 : vector<16xf32> to vector<16xi32>
        %eq3A_184 = arith.cmpi eq, %bitcast3A_182, %bitcast3A_183 : vector<16xi32>
        %reduce_and3A_185 = arith.constant 1.000000e+00 : f32
        %reduce_and3A_186 = arith.constant 0.000000e+00 : f32
        %reduce_and3A_187 = vector.broadcast %reduce_and3A_185 : f32 to vector<16xf32>
        %reduce_and3A_188 = vector.broadcast %reduce_and3A_186 : f32 to vector<16xf32>
        %reduce_and3A_189 = arith.select %eq3A_184, %reduce_and3A_187, %reduce_and3A_188 : vector<16xi1>, vector<16xf32>
        %reduce_and3A_190 = arith.constant true
        %reduce_and3A_191 = vector.broadcast %reduce_and3A_190 : i1 to vector<16xi1>
        %reduce_and3A_192 = tpu.scan <min>, %reduce_and3A_189 masked %reduce_and3A_191 : vector<16xf32>, vector<16xi1> -> vector<16xf32>
        %reduce_and3A_193 = vector.extract %reduce_and3A_192[15] : f32 from vector<16xf32>
        %reduce_and3A_194 = arith.constant 0.000000e+00 : f32
        %reduce_and3A_195 = arith.cmpf ogt, %reduce_and3A_193, %reduce_and3A_194 : f32
        %and3A_196 = arith.andi %and3A_181, %reduce_and3A_195 : i1
        %bitcast3A_197 = vector.bitcast %while3A_95 : vector<16xf32> to vector<16xi32>
        %bitcast3A_198 = vector.bitcast %get3A_116 : vector<16xf32> to vector<16xi32>
        %eq3A_199 = arith.cmpi eq, %bitcast3A_197, %bitcast3A_198 : vector<16xi32>
        %reduce_and3A_200 = arith.constant 1.000000e+00 : f32
        %reduce_and3A_201 = arith.constant 0.000000e+00 : f32
        %reduce_and3A_202 = vector.broadcast %reduce_and3A_200 : f32 to vector<16xf32>
        %reduce_and3A_203 = vector.broadcast %reduce_and3A_201 : f32 to vector<16xf32>
        %reduce_and3A_204 = arith.select %eq3A_199, %reduce_and3A_202, %reduce_and3A_203 : vector<16xi1>, vector<16xf32>
        %reduce_and3A_205 = arith.constant true
        %reduce_and3A_206 = vector.broadcast %reduce_and3A_205 : i1 to vector<16xi1>
        %reduce_and3A_207 = tpu.scan <min>, %reduce_and3A_204 masked %reduce_and3A_206 : vector<16xf32>, vector<16xi1> -> vector<16xf32>
        %reduce_and3A_208 = vector.extract %reduce_and3A_207[15] : f32 from vector<16xf32>
        %reduce_and3A_209 = arith.constant 0.000000e+00 : f32
        %reduce_and3A_210 = arith.cmpf ogt, %reduce_and3A_208, %reduce_and3A_209 : f32
        %and3A_211 = arith.andi %and3A_196, %reduce_and3A_210 : i1
        %bitcast3A_212 = vector.bitcast %while3A_96 : vector<16xf32> to vector<16xi32>
        %bitcast3A_213 = vector.bitcast %get3A_118 : vector<16xf32> to vector<16xi32>
        %eq3A_214 = arith.cmpi eq, %bitcast3A_212, %bitcast3A_213 : vector<16xi32>
        %reduce_and3A_215 = arith.constant 1.000000e+00 : f32
        %reduce_and3A_216 = arith.constant 0.000000e+00 : f32
        %reduce_and3A_217 = vector.broadcast %reduce_and3A_215 : f32 to vector<16xf32>
        %reduce_and3A_218 = vector.broadcast %reduce_and3A_216 : f32 to vector<16xf32>
        %reduce_and3A_219 = arith.select %eq3A_214, %reduce_and3A_217, %reduce_and3A_218 : vector<16xi1>, vector<16xf32>
        %reduce_and3A_220 = arith.constant true
        %reduce_and3A_221 = vector.broadcast %reduce_and3A_220 : i1 to vector<16xi1>
        %reduce_and3A_222 = tpu.scan <min>, %reduce_and3A_219 masked %reduce_and3A_221 : vector<16xf32>, vector<16xi1> -> vector<16xf32>
        %reduce_and3A_223 = vector.extract %reduce_and3A_222[15] : f32 from vector<16xf32>
        %reduce_and3A_224 = arith.constant 0.000000e+00 : f32
        %reduce_and3A_225 = arith.cmpf ogt, %reduce_and3A_223, %reduce_and3A_224 : f32
        %and3A_226 = arith.andi %and3A_211, %reduce_and3A_225 : i1
        %bitcast3A_227 = vector.bitcast %while3A_97 : vector<16xf32> to vector<16xi32>
        %bitcast3A_228 = vector.bitcast %get3A_120 : vector<16xf32> to vector<16xi32>
        %eq3A_229 = arith.cmpi eq, %bitcast3A_227, %bitcast3A_228 : vector<16xi32>
        %reduce_and3A_230 = arith.constant 1.000000e+00 : f32
        %reduce_and3A_231 = arith.constant 0.000000e+00 : f32
        %reduce_and3A_232 = vector.broadcast %reduce_and3A_230 : f32 to vector<16xf32>
        %reduce_and3A_233 = vector.broadcast %reduce_and3A_231 : f32 to vector<16xf32>
        %reduce_and3A_234 = arith.select %eq3A_229, %reduce_and3A_232, %reduce_and3A_233 : vector<16xi1>, vector<16xf32>
        %reduce_and3A_235 = arith.constant true
        %reduce_and3A_236 = vector.broadcast %reduce_and3A_235 : i1 to vector<16xi1>
        %reduce_and3A_237 = tpu.scan <min>, %reduce_and3A_234 masked %reduce_and3A_236 : vector<16xf32>, vector<16xi1> -> vector<16xf32>
        %reduce_and3A_238 = vector.extract %reduce_and3A_237[15] : f32 from vector<16xf32>
        %reduce_and3A_239 = arith.constant 0.000000e+00 : f32
        %reduce_and3A_240 = arith.cmpf ogt, %reduce_and3A_238, %reduce_and3A_239 : f32
        %and3A_241 = arith.andi %and3A_226, %reduce_and3A_240 : i1
        %bitcast3A_242 = vector.bitcast %while3A_98 : vector<16xf32> to vector<16xi32>
        %bitcast3A_243 = vector.bitcast %get3A_122 : vector<16xf32> to vector<16xi32>
        %eq3A_244 = arith.cmpi eq, %bitcast3A_242, %bitcast3A_243 : vector<16xi32>
        %reduce_and3A_245 = arith.constant 1.000000e+00 : f32
        %reduce_and3A_246 = arith.constant 0.000000e+00 : f32
        %reduce_and3A_247 = vector.broadcast %reduce_and3A_245 : f32 to vector<16xf32>
        %reduce_and3A_248 = vector.broadcast %reduce_and3A_246 : f32 to vector<16xf32>
        %reduce_and3A_249 = arith.select %eq3A_244, %reduce_and3A_247, %reduce_and3A_248 : vector<16xi1>, vector<16xf32>
        %reduce_and3A_250 = arith.constant true
        %reduce_and3A_251 = vector.broadcast %reduce_and3A_250 : i1 to vector<16xi1>
        %reduce_and3A_252 = tpu.scan <min>, %reduce_and3A_249 masked %reduce_and3A_251 : vector<16xf32>, vector<16xi1> -> vector<16xf32>
        %reduce_and3A_253 = vector.extract %reduce_and3A_252[15] : f32 from vector<16xf32>
        %reduce_and3A_254 = arith.constant 0.000000e+00 : f32
        %reduce_and3A_255 = arith.cmpf ogt, %reduce_and3A_253, %reduce_and3A_254 : f32
        %and3A_256 = arith.andi %and3A_241, %reduce_and3A_255 : i1
        %bitcast3A_257 = vector.bitcast %while3A_99 : vector<16xf32> to vector<16xi32>
        %bitcast3A_258 = vector.bitcast %get3A_124 : vector<16xf32> to vector<16xi32>
        %eq3A_259 = arith.cmpi eq, %bitcast3A_257, %bitcast3A_258 : vector<16xi32>
        %reduce_and3A_260 = arith.constant 1.000000e+00 : f32
        %reduce_and3A_261 = arith.constant 0.000000e+00 : f32
        %reduce_and3A_262 = vector.broadcast %reduce_and3A_260 : f32 to vector<16xf32>
        %reduce_and3A_263 = vector.broadcast %reduce_and3A_261 : f32 to vector<16xf32>
        %reduce_and3A_264 = arith.select %eq3A_259, %reduce_and3A_262, %reduce_and3A_263 : vector<16xi1>, vector<16xf32>
        %reduce_and3A_265 = arith.constant true
        %reduce_and3A_266 = vector.broadcast %reduce_and3A_265 : i1 to vector<16xi1>
        %reduce_and3A_267 = tpu.scan <min>, %reduce_and3A_264 masked %reduce_and3A_266 : vector<16xf32>, vector<16xi1> -> vector<16xf32>
        %reduce_and3A_268 = vector.extract %reduce_and3A_267[15] : f32 from vector<16xf32>
        %reduce_and3A_269 = arith.constant 0.000000e+00 : f32
        %reduce_and3A_270 = arith.cmpf ogt, %reduce_and3A_268, %reduce_and3A_269 : f32
        %and3A_271 = arith.andi %and3A_256, %reduce_and3A_270 : i1
        %bitcast3A_272 = vector.bitcast %while3A_100 : vector<16xf32> to vector<16xi32>
        %bitcast3A_273 = vector.bitcast %get3A_126 : vector<16xf32> to vector<16xi32>
        %eq3A_274 = arith.cmpi eq, %bitcast3A_272, %bitcast3A_273 : vector<16xi32>
        %reduce_and3A_275 = arith.constant 1.000000e+00 : f32
        %reduce_and3A_276 = arith.constant 0.000000e+00 : f32
        %reduce_and3A_277 = vector.broadcast %reduce_and3A_275 : f32 to vector<16xf32>
        %reduce_and3A_278 = vector.broadcast %reduce_and3A_276 : f32 to vector<16xf32>
        %reduce_and3A_279 = arith.select %eq3A_274, %reduce_and3A_277, %reduce_and3A_278 : vector<16xi1>, vector<16xf32>
        %reduce_and3A_280 = arith.constant true
        %reduce_and3A_281 = vector.broadcast %reduce_and3A_280 : i1 to vector<16xi1>
        %reduce_and3A_282 = tpu.scan <min>, %reduce_and3A_279 masked %reduce_and3A_281 : vector<16xf32>, vector<16xi1> -> vector<16xf32>
        %reduce_and3A_283 = vector.extract %reduce_and3A_282[15] : f32 from vector<16xf32>
        %reduce_and3A_284 = arith.constant 0.000000e+00 : f32
        %reduce_and3A_285 = arith.cmpf ogt, %reduce_and3A_283, %reduce_and3A_284 : f32
        %and3A_286 = arith.andi %and3A_271, %reduce_and3A_285 : i1
        %bitcast3A_287 = vector.bitcast %while3A_101 : vector<16xf32> to vector<16xi32>
        %bitcast3A_288 = vector.bitcast %get3A_128 : vector<16xf32> to vector<16xi32>
        %eq3A_289 = arith.cmpi eq, %bitcast3A_287, %bitcast3A_288 : vector<16xi32>
        %reduce_and3A_290 = arith.constant 1.000000e+00 : f32
        %reduce_and3A_291 = arith.constant 0.000000e+00 : f32
        %reduce_and3A_292 = vector.broadcast %reduce_and3A_290 : f32 to vector<16xf32>
        %reduce_and3A_293 = vector.broadcast %reduce_and3A_291 : f32 to vector<16xf32>
        %reduce_and3A_294 = arith.select %eq3A_289, %reduce_and3A_292, %reduce_and3A_293 : vector<16xi1>, vector<16xf32>
        %reduce_and3A_295 = arith.constant true
        %reduce_and3A_296 = vector.broadcast %reduce_and3A_295 : i1 to vector<16xi1>
        %reduce_and3A_297 = tpu.scan <min>, %reduce_and3A_294 masked %reduce_and3A_296 : vector<16xf32>, vector<16xi1> -> vector<16xf32>
        %reduce_and3A_298 = vector.extract %reduce_and3A_297[15] : f32 from vector<16xf32>
        %reduce_and3A_299 = arith.constant 0.000000e+00 : f32
        %reduce_and3A_300 = arith.cmpf ogt, %reduce_and3A_298, %reduce_and3A_299 : f32
        %and3A_301 = arith.andi %and3A_286, %reduce_and3A_300 : i1
        %bitcast3A_302 = vector.bitcast %while3A_102 : vector<16xf32> to vector<16xi32>
        %bitcast3A_303 = vector.bitcast %get3A_130 : vector<16xf32> to vector<16xi32>
        %eq3A_304 = arith.cmpi eq, %bitcast3A_302, %bitcast3A_303 : vector<16xi32>
        %reduce_and3A_305 = arith.constant 1.000000e+00 : f32
        %reduce_and3A_306 = arith.constant 0.000000e+00 : f32
        %reduce_and3A_307 = vector.broadcast %reduce_and3A_305 : f32 to vector<16xf32>
        %reduce_and3A_308 = vector.broadcast %reduce_and3A_306 : f32 to vector<16xf32>
        %reduce_and3A_309 = arith.select %eq3A_304, %reduce_and3A_307, %reduce_and3A_308 : vector<16xi1>, vector<16xf32>
        %reduce_and3A_310 = arith.constant true
        %reduce_and3A_311 = vector.broadcast %reduce_and3A_310 : i1 to vector<16xi1>
        %reduce_and3A_312 = tpu.scan <min>, %reduce_and3A_309 masked %reduce_and3A_311 : vector<16xf32>, vector<16xi1> -> vector<16xf32>
        %reduce_and3A_313 = vector.extract %reduce_and3A_312[15] : f32 from vector<16xf32>
        %reduce_and3A_314 = arith.constant 0.000000e+00 : f32
        %reduce_and3A_315 = arith.cmpf ogt, %reduce_and3A_313, %reduce_and3A_314 : f32
        %and3A_316 = arith.andi %and3A_301, %reduce_and3A_315 : i1
        %bitcast3A_317 = vector.bitcast %while3A_103 : vector<16xf32> to vector<16xi32>
        %bitcast3A_318 = vector.bitcast %get3A_132 : vector<16xf32> to vector<16xi32>
        %eq3A_319 = arith.cmpi eq, %bitcast3A_317, %bitcast3A_318 : vector<16xi32>
        %reduce_and3A_320 = arith.constant 1.000000e+00 : f32
        %reduce_and3A_321 = arith.constant 0.000000e+00 : f32
        %reduce_and3A_322 = vector.broadcast %reduce_and3A_320 : f32 to vector<16xf32>
        %reduce_and3A_323 = vector.broadcast %reduce_and3A_321 : f32 to vector<16xf32>
        %reduce_and3A_324 = arith.select %eq3A_319, %reduce_and3A_322, %reduce_and3A_323 : vector<16xi1>, vector<16xf32>
        %reduce_and3A_325 = arith.constant true
        %reduce_and3A_326 = vector.broadcast %reduce_and3A_325 : i1 to vector<16xi1>
        %reduce_and3A_327 = tpu.scan <min>, %reduce_and3A_324 masked %reduce_and3A_326 : vector<16xf32>, vector<16xi1> -> vector<16xf32>
        %reduce_and3A_328 = vector.extract %reduce_and3A_327[15] : f32 from vector<16xf32>
        %reduce_and3A_329 = arith.constant 0.000000e+00 : f32
        %reduce_and3A_330 = arith.cmpf ogt, %reduce_and3A_328, %reduce_and3A_329 : f32
        %and3A_331 = arith.andi %and3A_316, %reduce_and3A_330 : i1
        %bitcast3A_332 = vector.bitcast %while3A_104 : vector<16xf32> to vector<16xi32>
        %bitcast3A_333 = vector.bitcast %get3A_134 : vector<16xf32> to vector<16xi32>
        %eq3A_334 = arith.cmpi eq, %bitcast3A_332, %bitcast3A_333 : vector<16xi32>
        %reduce_and3A_335 = arith.constant 1.000000e+00 : f32
        %reduce_and3A_336 = arith.constant 0.000000e+00 : f32
        %reduce_and3A_337 = vector.broadcast %reduce_and3A_335 : f32 to vector<16xf32>
        %reduce_and3A_338 = vector.broadcast %reduce_and3A_336 : f32 to vector<16xf32>
        %reduce_and3A_339 = arith.select %eq3A_334, %reduce_and3A_337, %reduce_and3A_338 : vector<16xi1>, vector<16xf32>
        %reduce_and3A_340 = arith.constant true
        %reduce_and3A_341 = vector.broadcast %reduce_and3A_340 : i1 to vector<16xi1>
        %reduce_and3A_342 = tpu.scan <min>, %reduce_and3A_339 masked %reduce_and3A_341 : vector<16xf32>, vector<16xi1> -> vector<16xf32>
        %reduce_and3A_343 = vector.extract %reduce_and3A_342[15] : f32 from vector<16xf32>
        %reduce_and3A_344 = arith.constant 0.000000e+00 : f32
        %reduce_and3A_345 = arith.cmpf ogt, %reduce_and3A_343, %reduce_and3A_344 : f32
        %and3A_346 = arith.andi %and3A_331, %reduce_and3A_345 : i1
        %bitcast3A_347 = vector.bitcast %while3A_105 : vector<16xf32> to vector<16xi32>
        %bitcast3A_348 = vector.bitcast %get3A_136 : vector<16xf32> to vector<16xi32>
        %eq3A_349 = arith.cmpi eq, %bitcast3A_347, %bitcast3A_348 : vector<16xi32>
        %reduce_and3A_350 = arith.constant 1.000000e+00 : f32
        %reduce_and3A_351 = arith.constant 0.000000e+00 : f32
        %reduce_and3A_352 = vector.broadcast %reduce_and3A_350 : f32 to vector<16xf32>
        %reduce_and3A_353 = vector.broadcast %reduce_and3A_351 : f32 to vector<16xf32>
        %reduce_and3A_354 = arith.select %eq3A_349, %reduce_and3A_352, %reduce_and3A_353 : vector<16xi1>, vector<16xf32>
        %reduce_and3A_355 = arith.constant true
        %reduce_and3A_356 = vector.broadcast %reduce_and3A_355 : i1 to vector<16xi1>
        %reduce_and3A_357 = tpu.scan <min>, %reduce_and3A_354 masked %reduce_and3A_356 : vector<16xf32>, vector<16xi1> -> vector<16xf32>
        %reduce_and3A_358 = vector.extract %reduce_and3A_357[15] : f32 from vector<16xf32>
        %reduce_and3A_359 = arith.constant 0.000000e+00 : f32
        %reduce_and3A_360 = arith.cmpf ogt, %reduce_and3A_358, %reduce_and3A_359 : f32
        %and3A_361 = arith.andi %and3A_346, %reduce_and3A_360 : i1
        %bitcast3A_362 = vector.bitcast %while3A_106 : vector<16xf32> to vector<16xi32>
        %bitcast3A_363 = vector.bitcast %get3A_138 : vector<16xf32> to vector<16xi32>
        %eq3A_364 = arith.cmpi eq, %bitcast3A_362, %bitcast3A_363 : vector<16xi32>
        %reduce_and3A_365 = arith.constant 1.000000e+00 : f32
        %reduce_and3A_366 = arith.constant 0.000000e+00 : f32
        %reduce_and3A_367 = vector.broadcast %reduce_and3A_365 : f32 to vector<16xf32>
        %reduce_and3A_368 = vector.broadcast %reduce_and3A_366 : f32 to vector<16xf32>
        %reduce_and3A_369 = arith.select %eq3A_364, %reduce_and3A_367, %reduce_and3A_368 : vector<16xi1>, vector<16xf32>
        %reduce_and3A_370 = arith.constant true
        %reduce_and3A_371 = vector.broadcast %reduce_and3A_370 : i1 to vector<16xi1>
        %reduce_and3A_372 = tpu.scan <min>, %reduce_and3A_369 masked %reduce_and3A_371 : vector<16xf32>, vector<16xi1> -> vector<16xf32>
        %reduce_and3A_373 = vector.extract %reduce_and3A_372[15] : f32 from vector<16xf32>
        %reduce_and3A_374 = arith.constant 0.000000e+00 : f32
        %reduce_and3A_375 = arith.cmpf ogt, %reduce_and3A_373, %reduce_and3A_374 : f32
        %and3A_376 = arith.andi %and3A_361, %reduce_and3A_375 : i1
        scf.yield %and3A_376, %get3A_108, %get3A_110, %get3A_112, %get3A_114, %get3A_116, %get3A_118, %get3A_120, %get3A_122, %get3A_124, %get3A_126, %get3A_128, %get3A_130, %get3A_132, %get3A_134, %get3A_136, %get3A_138 : i1, vector<16xf32>, vector<16xf32>, vector<16xf32>, vector<16xf32>, vector<16xf32>, vector<16xf32>, vector<16xf32>, vector<16xf32>, vector<16xf32>, vector<16xf32>, vector<16xf32>, vector<16xf32>, vector<16xf32>, vector<16xf32>, vector<16xf32>, vector<16xf32>
      }
      %add3A = arith.addf %while3A_67#1, %while3A_67#2 : vector<16xf32>
      %add3A_68 = arith.addf %add3A, %while3A_67#3 : vector<16xf32>
      %add3A_69 = arith.addf %add3A_68, %while3A_67#4 : vector<16xf32>
      %add3A_70 = arith.addf %add3A_69, %while3A_67#5 : vector<16xf32>
      %add3A_71 = arith.addf %add3A_70, %while3A_67#6 : vector<16xf32>
      %add3A_72 = arith.addf %add3A_71, %while3A_67#7 : vector<16xf32>
      %add3A_73 = arith.addf %add3A_72, %while3A_67#8 : vector<16xf32>
      %add3A_74 = arith.addf %add3A_73, %while3A_67#9 : vector<16xf32>
      %add3A_75 = arith.addf %add3A_74, %while3A_67#10 : vector<16xf32>
      %add3A_76 = arith.addf %add3A_75, %while3A_67#11 : vector<16xf32>
      %add3A_77 = arith.addf %add3A_76, %while3A_67#12 : vector<16xf32>
      %add3A_78 = arith.addf %add3A_77, %while3A_67#13 : vector<16xf32>
      %add3A_79 = arith.addf %add3A_78, %while3A_67#14 : vector<16xf32>
      %add3A_80 = arith.addf %add3A_79, %while3A_67#15 : vector<16xf32>
      %add3A_81 = arith.addf %add3A_80, %while3A_67#16 : vector<16xf32>
      %reduce_sum3A = arith.constant true
      %reduce_sum3A_82 = vector.broadcast %reduce_sum3A : i1 to vector<16xi1>
      %reduce_sum3A_83 = tpu.scan <sum>, %add3A_81 masked %reduce_sum3A_82 : vector<16xf32>, vector<16xi1> -> vector<16xf32>
      %reduce_sum3A_84 = vector.extract %reduce_sum3A_83[15] : f32 from vector<16xf32>
      %mul3A_85 = arith.constant -6.10351563E-5 : f32
      %mul3A_86 = arith.mulf %reduce_sum3A_84, %mul3A_85 : f32
      %broadcast_in_dim3A_87 = vector.broadcast %mul3A_86 : f32 to vector<16xf32>
      %swap3A_88 = arith.constant 0 : index
      %swap3A_89 = tpu.vector_load %arg9[%swap3A_88] {strides = array<i32>} : memref<16xf32, #tpu.memory_space<vmem>>, vector<16xf32>,
      tpu.vector_store %arg9[%swap3A_88], %broadcast_in_dim3A_87 {strides = array<i32>} : memref<16xf32, #tpu.memory_space<vmem>>, vector<16xf32>,
      "tpu.region"() ({
        %run_scoped3A = tpu.sem_alloc : memref<!tpu.dma_semaphore, #tpu.memory_space<semaphore_mem>>
        tpu.enqueue_dma source(%arg9 : memref<16xf32, #tpu.memory_space<vmem>>) target(%arg5 : memref<16xf32, #tpu.memory_space<hbm>>) target_semaphore(%run_scoped3A : memref<!tpu.dma_semaphore, #tpu.memory_space<semaphore_mem>>)
        tpu.wait_dma2 semaphore(%run_scoped3A : memref<!tpu.dma_semaphore, #tpu.memory_space<semaphore_mem>>) src(%arg9 : memref<16xf32, #tpu.memory_space<vmem>>) dst(%arg5 : memref<16xf32, #tpu.memory_space<hbm>>)
        tpu.yield
      }) : () -> ()
    } else {
    }
    return
  }
}

</mosaic_0001>

<sc_bundles>
// kernel: kernel.3.cloned.1.call-start
scs
__scs_entry_jumppad:
0x0: {  	(pc) =	sbr.rel $0x88, $3  }
0x1: {  	(tag) =	ssettag $0x0;
	lr =	simm.s32 $0x1  }
0x2: {  	[smem:$0x3F9E] =	sst lr;
	_ =	strace $0xD0000000  }
0x3: {  	_ = 	snop  }
0x4: {  	_ = 	snop  }
0x5: {  	_ = 	snop  }
0x6: {  	_ = 	snop  }
0x7: {  	_ = 	snop  }
__scs_overlays_trampoline_lowered:
0x8: {  	[smem:$0x3FAD] =	sst s0  }
0x9: {  	[smem:$0x3FAE] =	sst s1  }
0xa: {  	[smem:$0x3FAF] =	sst s2  }
0xb: {  	[smem:$0x3FB0] =	sst s3  }
0xc: {  	[smem:$0x3FB1] =	sst s4  }
0xd: {  	[smem:$0x3FB2] =	sst s5  }
0xe: {  	[smem:$0x3FB3] =	sst s6  }
0xf: {  	[smem:$0x3FB4] =	sst s7  }
0x10: {  	[smem:$0x3FB5] =	sst s8  }
0x11: {  	[smem:$0x3FB6] =	sst s9;
	s0 =	simm.s32 @!p0 $0x0  }
0x12: {  	s1 =	sld [smem:$0x3F9C];
	s0 =	simm.s32 @p0 $0x1  }
0x13: {  	[smem:$0x3FB7] =	sst s0;
	s0 =	simm.s32 @!p1 $0x0  }
0x14: {  	s2 =	sld [smem:$0x3F9B];
	s0 =	simm.s32 @p1 $0x1  }
0x15: {  	[smem:$0x3FB8] =	sst s0;
	s0 =	simm.s32 @!p2 $0x0  }
0x16: {  	s3 =	sld [smem:$0x3FDB];
	s0 =	simm.s32 @p2 $0x1  }
0x17: {  	s4 =	simm.s32 $0x1BF5;
	[smem:$0x3FBA] =	sst s0  }
0x18: {  	s0 =	sld [smem:$0x3F9D];
	_ =	swait.ge [sflag:s4], $0x0  }
0x19: {  	s7 =	sld [smem:$0x3F9E]  }
0x1a: {  	s8 =	sadd.s32 $0xFFFFE003, lr  }
0x1b: {  	s9 =	sadd.s32 $0xFFFFFEF7, lr;
	s5 =	simm.s32 $0xFFFFFFFF;
	p2 =	slt.u32 s8, $0xFFFFF086  }
0x1c: {  	p1 =	slt.u32 s9, $0xF7A;
	s5 =	simm.s32 @!p2 $0x0  }
0x1d: {  	s5 =	simm.s32 @p1 $0x1;
	p0 =	seq.s32 s7, s2  }
0x1e: {  	s7 =	smul.u32 @!p0 $0xF7A, s2;
	p2 =	seq.s32 @!p0 s5, $0x0  }
0x1f: {  	s9 =	smul.u32 $0xF7A, s1;
	s8 =	simm.s32 @!p0 $0x1BF5;
	p2 =	por !p2, p0  }
0x20: {  	[sflag:s8] =	ssyncset.s32 @!p0 $0xFFFFF086;
	s6 =	sadd.s32 @!p0 s3, s7;
	s7 =	simm.s32 @!p0 $0x108  }
0x21: {  	s3 =	sadd.s32 s3, s9;
	s6 =	sadd.s32 @!p0 $0x88, s6;
	s7 =	simm.s32 @p2 $0x1082  }
0x22: {  	[simem:s7], [sflag:s8] =	dma.local @!p0 [hbm:s6], $0xF7A  }
0x23: {  	s9 =	sor.u32 $0xD0000000, s2;
	s6 =	simm.s32 $0x108;
	_ =	swait.ge @!p0 [sflag:s8], $0x0  }
0x24: {  	s3 =	sadd.s32 $0x88, s3;
	s6 =	simm.s32 @!p1 $0x1082;
	[sflag:s4] =	ssyncset.s32 $0xFFFFF086  }
0x25: {  	[simem:s6], [sflag:s4] =	dma.local [hbm:s3], $0xF7A  }
0x26: {  	[smem:$0x3F9E] =	sst s1;
	(tag) =	ssettag s2;
	_ =	strace s9  }
0x27: {  	s1 =	sld [smem:$0x3FAE]  }
0x28: {  	s2 =	sld [smem:$0x3FAF]  }
0x29: {  	s4 =	sld [smem:$0x3FB1]  }
0x2a: {  	p0 =	seq.s32 s5, $0x0;
	s5 =	sld [smem:$0x3FB2]  }
0x2b: {  	s6 =	sld [smem:$0x3FB3]  }
0x2c: {  	s7 =	sld [smem:$0x3FB4]  }
0x2d: {  	s3 =	simm.s32 $0x108;
	s8 =	sld [smem:$0x3FB5]  }
0x2e: {  	s3 =	simm.s32 @!p0 $0x1082;
	s9 =	sld [smem:$0x3FB6]  }
0x2f: {  	lr =	sadd.s32 s0, s3;
	s0 =	sld [smem:$0x3FAD]  }
0x30: {  	s3 =	sld [smem:$0x3FB0]  }
0x31: {  	[smem:$0x3FB9] =	sst s10  }
0x32: {  	s10 =	sld [smem:$0x3FB7];
	_ =	sdelay $0x3  }
0x33: {  	p0 =	seq.s32 s10, $0x1;
	s10 =	sld [smem:$0x3FB9];
	_ =	sdelay $0x3  }
0x34: {  	[smem:$0x3FB9] =	sst s10  }
0x35: {  	s10 =	sld [smem:$0x3FB8];
	_ =	sdelay $0x3  }
0x36: {  	p1 =	seq.s32 s10, $0x1;
	s10 =	sld [smem:$0x3FB9];
	_ =	sdelay $0x3  }
0x37: {  	[smem:$0x3FB9] =	sst s10  }
0x38: {  	s10 =	sld [smem:$0x3FBA]  }
0x39: {  	_ = 	snop;
	(pc) =	sbr.ind lr, $3  }
0x3a: {  	_ = 	snop  }
0x3b: {  	_ = 	snop  }
0x3c: {  	p2 =	seq.s32 s10, $0x1;
	s10 =	sld [smem:$0x3FB9]  }
0x3d: {  	_ =	shalt  }
0x3e: {  	_ =	shalt  }
0x3f: {  	_ =	shalt  }
0x40: {  	_ =	shalt  }
0x41: {  	_ =	shalt  }
0x42: {  	_ =	shalt  }
0x43: {  	_ =	shalt  }
0x44: {  	_ =	shalt  }
0x45: {  	_ =	shalt  }
0x46: {  	_ =	shalt  }
0x47: {  	_ =	shalt  }
0x48: {  	_ =	shalt  }
0x49: {  	_ =	shalt  }
0x4a: {  	_ =	shalt  }
0x4b: {  	_ =	shalt  }
0x4c: {  	_ =	shalt  }
0x4d: {  	_ =	shalt  }
0x4e: {  	_ =	shalt  }
0x4f: {  	_ =	shalt  }
0x50: {  	_ =	shalt  }
0x51: {  	_ =	shalt  }
0x52: {  	_ =	shalt  }
0x53: {  	_ =	shalt  }
0x54: {  	_ =	shalt  }
0x55: {  	_ =	shalt  }
0x56: {  	_ =	shalt  }
0x57: {  	_ =	shalt  }
0x58: {  	_ =	shalt  }
0x59: {  	_ =	shalt  }
0x5a: {  	_ =	shalt  }
0x5b: {  	_ =	shalt  }
0x5c: {  	_ =	shalt  }
0x5d: {  	_ =	shalt  }
0x5e: {  	_ =	shalt  }
0x5f: {  	_ =	shalt  }
0x60: {  	_ =	shalt  }
0x61: {  	_ =	shalt  }
0x62: {  	_ =	shalt  }
0x63: {  	_ =	shalt  }
0x64: {  	_ =	shalt  }
0x65: {  	_ =	shalt  }
0x66: {  	_ =	shalt  }
0x67: {  	_ =	shalt  }
0x68: {  	_ =	shalt  }
0x69: {  	_ =	shalt  }
0x6a: {  	_ =	shalt  }
0x6b: {  	_ =	shalt  }
0x6c: {  	_ =	shalt  }
0x6d: {  	_ =	shalt  }
0x6e: {  	_ =	shalt  }
0x6f: {  	_ =	shalt  }
0x70: {  	_ =	shalt  }
0x71: {  	_ =	shalt  }
0x72: {  	_ =	shalt  }
0x73: {  	_ =	shalt  }
0x74: {  	_ =	shalt  }
0x75: {  	_ =	shalt  }
0x76: {  	_ =	shalt  }
0x77: {  	_ =	shalt  }
0x78: {  	_ =	shalt  }
0x79: {  	_ =	shalt  }
0x7a: {  	_ =	shalt  }
0x7b: {  	_ =	shalt  }
0x7c: {  	_ =	shalt  }
0x7d: {  	_ =	shalt  }
0x7e: {  	_ =	shalt  }
0x7f: {  	_ =	shalt  }
0x80: {  	_ =	shalt  }
0x81: {  	_ =	shalt  }
0x82: {  	_ =	shalt  }
0x83: {  	_ =	shalt  }
0x84: {  	_ =	shalt  }
0x85: {  	_ =	shalt  }
0x86: {  	_ =	shalt  }
0x87: {  	_ =	shalt  }
.Lfunc_end0:
.L_simem_size_0:
called_computation_lowered:
.L_overlay_start_0:
0x88: {  	s2 =	sld [smem:$0x3FD9]  }
0x89: {  	s3 =	sld [smem:$0x3FFE];
	_ =	sdelay $0x1  }
0x8a: {  	s1 =	srdreg.scid  }
0x8b: {  	s0 =	sand.u32 $0x1, s1  }
0x8c: {  	s17 =	sshll.u32 s0, $0xA;
	s2 =	sadd.s32 s3, s2  }
0x8d: {  	s2 =	sadd.s32 s2, s17  }
0x8e: {  	[smem:$0x3FC5] =	sst s2  }
0x8f: {  	_ = 	snop  }
0x90: {  	s2 =	sld [smem:$0x3FC8]  }
0x91: {  	s18 =	sld [smem:$0x3FC7]  }
0x92: {  	s4 =	sld [smem:$0x3FD0];
	(tm) =	ssettm $0x1  }
0x93: {  	s5 =	sld [smem:$0x3FFB];
	_ =	sdelay $0x3  }
0x94: {  	_ =	strace s5  }
0x95: {  	s5 =	sld [smem:$0x3FFC];
	_ =	sdelay $0x3  }
0x96: {  	_ =	strace s5  }
0x97: {  	s5 =	sld [smem:$0x3FFD];
	_ =	sdelay $0x3  }
0x98: {  	_ =	strace s5  }
0x99: {  	_ =	strace $0x8FFFFFFF  }
0x9a: {  	s19 =	sld [smem:$0x3FDB];
	_ =	sdelay $0x1  }
0x9b: {  	s6 =	simm.s32 $_scs_section_size  }
0x9c: {  	s7 =	simm.s32 $_size__tile_overlayer_lowered;
	s8 =	simm.s32 $_tile_overlayer_lowered  }
0x9d: {  	s22 =	simm.s32 $0x1BFF;
	s21 =	sshll.u32 s8, $0x1;
	s5 =	sadd.s32 s6, s19  }
0x9e: {  	s9 =	simm.s32 $0x0;
	s20 =	sshll.u32 s7, $0x1;
	s7 =	sadd.s32 s21, s5  }
0x9f: {  	[timem:s9], [sflag:s22] =	dma.local [hbm:s7], s20  }
0xa0: {  	_ =	swait.ge [sflag:s22], s20  }
0xa1: {  	s6 =	ssub.s32 $0x0, s20;
	[sflag:s22] =	ssyncset.done $0x0  }
0xa2: {  	[sflag:s22] =	ssyncadd.s32 s6;
	_ =	sdelay $0x1  }
0xa3: {  	s23 =	simm.s32 $0x1B8B  }
0xa4: {  	_ =	swait.ge [sflag:s23], $0x1  }
0xa5: {  	[sflag:s23] =	ssyncset.done $0x0  }
0xa6: {  	s25 =	simm.s32 $0x1B8E;
	s24 =	sld [smem:$0x3FFE];
	[sflag:s23] =	ssyncadd.s32 $0xFFFFFFFF  }
0xa7: {  	s26 =	simm.s32 $execute0_lowered;
	[smem:$0x3FD2] =	sst s25  }
0xa8: {  	s7 =	sshll.u32 s26, $0x1;
	_ =	strace $0x80000046;
	[dreg:$0x1] =	wrdreg $0xFFFFFFFF  }
0xa9: {  	s28 =	simm.s32 $_size_execute0_lowered;
	s5 =	sadd.s32 s5, s7;
	[dreg:$0x0] =	wrdreg $0x0  }
0xaa: {  	s7 =	sshll.u32 s28, $0x1;
	[dreg:$0x2] =	wrdreg s5  }
0xab: {  	[dreg:$0x3] =	wrdreg s7  }
0xac: {  	[dreg:$0x4] =	wrdreg $0xC0  }
0xad: {  	_ =	task [dreg:s9], $0x5FFFF  }
0xae: {  	[dreg:$0x1] =	wrdreg $0xFFFFFFFF  }
0xaf: {  	[dreg:$0x0] =	wrdreg $0x60  }
0xb0: {  	[dreg:$0x2] =	wrdreg s24  }
0xb1: {  	[dreg:$0x3] =	wrdreg s2  }
0xb2: {  	[dreg:$0x4] =	wrdreg s18  }
0xb3: {  	[dreg:$0x5] =	wrdreg s4  }
0xb4: {  	[dreg:$0x6] =	wrdreg $0x20800  }
0xb5: {  	[dreg:$0x7] =	wrdreg $0x9  }
0xb6: {  	_ =	task.clear_ibuf [dreg:s9], $0x8FFFF;
	_ =	strace $0x90000046  }
0xb7: {  	s29 =	simm.s32 $0x9;
	_ =	strace $0x80000048  }
0xb8: {  	_ =	swait.ge [sflag:s29], $0x1  }
0xb9: {  	[sflag:s29] =	ssyncadd.s32 $0xFFFFFFFF  }
0xba: {  	_ =	strace $0x90000048  }
0xbb: {  	_ =	sfence  }
0xbc: {  	s30 =	sld [smem:$0x0];
	_ =	sdelay $0x2  }
0xbd: {  	s31 =	sshll.u32 s1, $0xD;
	s1 =	sshrl.u32 s1, $0x2  }
0xbe: {  	s3 =	sand.u32 $0x4000, s31;
	s1 =	sadd.s32 s1, s30  }
0xbf: {  	s0 =	sor.u32 s3, s0;
	s1 =	sshll.u32 s1, $0x11  }
0xc0: {  	s0 =	sor.u32 s1, s0  }
0xc1: {  	s0 =	sadd.s32 $0x8F2B, s0  }
0xc2: {  	[sflag:s0] =	ssyncadd.remote.s32 $0x1  }
0xc3: {  	_ =	sfence.sel $0xFFFF  }
0xc4: {  	[dreg:$0x0] =	wrdreg $0xFFFFFFFF;
	(pc) =	sbr.abs _section_cstart, $3  }
0xc5: {  	[dreg:$0x1] =	wrdreg $0xFFFFFFFF  }
0xc6: {  	_ =	task.clear_ibuf [dreg:s9], $0x2FFFF;
	_ =	strace $0x9FFFFFFF  }
0xc7: {  	(tm) =	ssettm $0x7FFFFFFF  }
tec
execute0_lowered:
.L_overlay_start_1:
0x0: {  	(tag) =	ssettag $0x1  }
0x1: {  	s4 =	rddreg [dreg:$0x0]  }
0x2: {  	s5 =	rddreg [dreg:$0x1]  }
0x3: {  	s6 =	rddreg [dreg:$0x2]  }
0x4: {  	s1 =	rddreg [dreg:$0x3]  }
0x5: {  	s2 =	rddreg [dreg:$0x4];
	s3 =	srdreg.scid  }
0x6: {  	s0 =	rddreg [dreg:$0x5];
	s9 =	stileid.u32;
	s11 =	simm.s32 $0x1  }
0x7: {  	s12 =	simm.s32 $0x2;
	s13 =	simm.s32 $0x3;
	s14 =	simm.s32 $0x2000  }
0x8: {  	s15 =	simm.s32 $0x5;
	s16 =	simm.s32 $0x4;
	s17 =	simm.s32 $0x2090  }
0x9: {  	s18 =	simm.s32 $0x0;
	s7 =	sand.u32 $0x1, s3;
	s3 =	simm.s32 $0x0  }
0xa: {  	s8 =	smul.u32 $0x300, s9;
	s30 =	sshll.u32 s9, $0x7;
	s31 =	sshll.u32 s9, $0x4  }
.Ltmp0:
0xb: {  	p0 =	sne.s32 s9, $0x0;
	s9 =	simm.s32 $0x1800;
	(pc) =	sbr.rel .LBB2_1-.Ltmp0, $4  }
0xc: {  	s7 =	ssub.s32 $0x2, s7;
	[smem:$0x7FF] =	sst s3;
	s5 =	sadd.s32 s5, s30  }
0xd: {  	s6 =	sadd.s32 s6, s30;
	s10 =	sshrl.u32 s7, $0x1;
	s4 =	sadd.s32 s8, s4  }
0xe: {  	v0 =	vlaneseq.u32;
	_ =	strace $0x80000047;
	s29 =	ssub.s32 s7, s10;
	s4 =	sadd.s32 $0x400, s4  }
0xf: {  	v1 =	vimm.s32 $0x0;
	v2 =	vimm.f32 $0.0e+00;
	v0 =	vmul.u32 $0x6, v0;
	s7 =	sadd.s32 s31, s2;
	s10 =	simm.s32 $0x1C00;
	s8 =	smax.u32 s29, $0x1  }
.LBB2_6:
0x10: {  	v3 =	vadd.f32 v4, v3;
	_ =	sdelay $0x1  }
0x11: {  	v3 =	vadd.f32 v5, v3;
	_ =	sdelay $0x1  }
0x12: {  	v3 =	vadd.f32 v6, v3;
	_ =	sdelay $0x1  }
0x13: {  	v3 =	vadd.f32 v7, v3;
	_ =	sdelay $0x1  }
0x14: {  	v3 =	vadd.f32 v8, v3;
	_ =	sdelay $0x1  }
0x15: {  	v3 =	vadd.f32 v9, v3;
	_ =	sdelay $0x1  }
0x16: {  	v3 =	vadd.f32 v10, v3;
	_ =	sdelay $0x1  }
0x17: {  	v3 =	vadd.f32 v11, v3;
	_ =	sdelay $0x1  }
0x18: {  	v3 =	vadd.f32 v12, v3;
	_ =	sdelay $0x1  }
0x19: {  	v3 =	vadd.f32 v13, v3;
	_ =	sdelay $0x1  }
0x1a: {  	v3 =	vadd.f32 v14, v3;
	_ =	sdelay $0x1  }
0x1b: {  	v3 =	vadd.f32 v15, v3;
	_ =	sdelay $0x1  }
0x1c: {  	v3 =	vadd.f32 v16, v3;
	_ =	sdelay $0x1  }
0x1d: {  	v3 =	vadd.f32 v17, v3;
	_ =	sdelay $0x1  }
0x1e: {  	v3 =	vadd.f32 v18, v3;
	_ =	sdelay $0x1  }
0x1f: {  	(xrf2) =	vadd.scan.msk.f32 $0xffff, v3;
	_ =	sdelay $0x9  }
0x20: {  	v3, _, _ =	vpop (xrf2)  }
0x21: {  	(v2sf) =	vpush v3, $0xF;
	_ =	sdelay $0xe  }
0x22: {  	s19 =	spop (v2sf)  }
0x23: {  	s19 =	smul.f32 $-6.103515630e-05, s19;
	_ =	sdelay $0x1  }
0x24: {  	v3 =	vmov s19  }
0x25: {  	[tilespmem:$0x2000] =	vst v3  }
0x26: {  	[hbm4b:s1+s3] =	stream.linear.scatter [tilespmem:s14], [sflag:$0x5], $0x80, $0x38;
	[tilespmem:$0x2190] =	vst v63  }
0x27: {  	_ =	swait.ge [sflag:s15], $0x80  }
0x28: {  	[sflag:s15] =	ssyncset.done $0x0  }
0x29: {  	[sflag:s15] =	ssyncadd.s32 $0xFFFFFF80  }
.LBB2_7:
0x2a: {  	s18 =	sadd.s32 $0x1, s18  }
0x2b: {  	p1 =	sne.s32 s18, s8  }
.Ltmp1:
0x2c: {  	_ = 	snop;
	(pc) =	sbr.rel @!p1 .LBB2_8-.Ltmp1, $1  }
0x2d: {  	_ =	sdelay $0x3  }
.LBB2_1:
0x2e: {  	s19 =	simm.s32 @!p0 $0x0  }
0x2f: {  	[smem:$0x0] =	sst @!p0 s19  }
0x30: {  	[bflag:$0x0] =	sbarrier.arrive $0xFFFF  }
0x31: {  	[tilespmem:s3], [sflag:$0x1] =	stream.linear.gather [hbm4b:s4+s3], $0x1800, $0x38;
	[tilespmem:$0x2190] =	vst v63  }
0x32: {  	_ = 	snop  }
0x33: {  	[tilespmem:s9], [sflag:$0x2] =	stream.linear.gather [hbm4b:s5+s3], $0x400, $0x38;
	[tilespmem:$0x2190] =	vst v63  }
0x34: {  	_ = 	snop  }
0x35: {  	[tilespmem:s10], [sflag:$0x3] =	stream.linear.gather [hbm4b:s6+s3], $0x400, $0x38;
	[tilespmem:$0x2190] =	vst v63  }
0x36: {  	_ =	swait.ge [sflag:s11], $0x1800  }
0x37: {  	[sflag:s11] =	ssyncset.done $0x0  }
0x38: {  	[sflag:s11] =	ssyncadd.s32 $0xFFFFE800  }
0x39: {  	_ =	swait.ge [sflag:s12], $0x400  }
0x3a: {  	[sflag:s12] =	ssyncset.done $0x0  }
0x3b: {  	[sflag:s12] =	ssyncadd.s32 $0xFFFFFC00  }
0x3c: {  	_ =	swait.ge [sflag:s13], $0x400  }
0x3d: {  	[sflag:s13] =	ssyncset.done $0x0  }
0x3e: {  	s23 =	simm.s32 $0x1820;
	s20 =	simm.s32 $0x10;
	[sflag:s13] =	ssyncadd.s32 $0xFFFFFC00  }
0x3f: {  	v3 =	vmov s20;
	v4 =	vld [tilespmem:s23+$0xFFFFFFF0]  }
0x40: {  	v3 =	vmul.u32 $0x6, v3  }
0x41: {  	s24 =	simm.s32 $0x20  }
0x42: {  	v5 =	vmov s24;
	v3 =	vbroadcast v3, $0x0;
	v6 =	vld [tilespmem:s23+$0x0]  }
0x43: {  	v5 =	vmul.u32 $0x6, v5  }
0x44: {  	v3 =	vadd.s32 v4, v3  }
0x45: {  	v4 =	vbroadcast v5, $0x0;
	v3 =	vadd.s32 v0, v3;
	_ =	sdelay $0x1  }
0x46: {  	v4 =	vadd.s32 v6, v4  }
0x47: {  	s25 =	simm.s32 $0x30;
	v4 =	vadd.s32 v0, v4  }
0x48: {  	v5 =	vld [tilespmem:s23+$0x10];
	v6 =	vmov s25  }
0x49: {  	v6 =	vmul.u32 $0x6, v6;
	v3 =	vld.idx.msk [tilespmem:v3+s3+$0x0], $0xffff;
	_ =	sdelay $0x1  }
0x4a: {  	v6 =	vbroadcast v6, $0x0  }
0x4b: {  	v4 =	vld.idx.msk [tilespmem:v4+s3+$0x0], $0xffff  }
0x4c: {  	v5 =	vadd.s32 v5, v6  }
0x4d: {  	v5 =	vadd.s32 v0, v5;
	v6 =	vand.u32 $0x7FFFFF, v3  }
0x4e: {  	v6 =	vor.u32 $0x3F800000, v6  }
0x4f: {  	v7 =	vmov s3;
	v8 =	vld [tilespmem:s23+$0xFFFFFFE0];
	v9 =	vmul.f32 $5.000000000e-01, v6  }
0x50: {  	v7 =	vmul.u32 $0x6, v7;
	v10 =	vand.u32 $0x7FFFFF, v4;
	vm0 =	vgt.f32 v6, $1.414213540e+00  }
0x51: {  	v10 =	vor.u32 $0x3F800000, v10;
	v6 =	vsel vm0, v9, v6  }
0x52: {  	v7 =	vbroadcast v7, $0x0;
	v5 =	vld.idx.msk [tilespmem:v5+s3+$0x0], $0xffff;
	v11 =	vmul.f32 $5.000000000e-01, v10;
	v9 =	vadd.f32 $1.000000000e+00, v6  }
0x53: {  	vm1 =	vgt.f32 v10, $1.414213540e+00  }
0x54: {  	v7 =	vadd.s32 v7, v8;
	v8 =	vsel vm1, v11, v10;
	(erf) = vrcp.f32 v9  }
0x55: {  	v7 =	vadd.s32 v0, v7;
	v9 =	vadd.f32 $1.000000000e+00, v8;
	_ =	sdelay $0x1  }
0x56: {  	(erf) = vrcp.f32 v9;
	v9 =	vand.u32 $0x7FFFFF, v5  }
0x57: {  	v9 =	vor.u32 $0x3F800000, v9  }
0x58: {  	v11 =	vmul.f32 $5.000000000e-01, v9  }
0x59: {  	s26 =	simm.s32 $0x50;
	s28 =	simm.s32 $0x60;
	s30 =	simm.s32 $0x40;
	v7 =	vld.idx.msk [tilespmem:v7+s3+$0x0], $0xffff  }
0x5a: {  	v15 =	vmov s26;
	v19 =	vmov s28;
	v22 =	vmov s30  }
0x5b: {  	v6 =	vadd.f32 $-1.000000000e+00, v6;
	v10 =	vsel vm0, $0x1, v1;
	vm0 =	vgt.f32 v9, $1.414213540e+00  }
0x5c: {  	v15 =	vmul.u32 $0x6, v15;
	v3 =	vshra.s32 v3, $0x17;
	v9 =	vsel vm0, v11, v9;
	v11 =	vpop (erf)  }
0x5d: {  	v3 =	vadd.s32 v10, v3;
	v10 =	vadd.f32 $1.000000000e+00, v9;
	v6 =	vmul.f32 v11, v6  }
0x5e: {  	s19 =	simm.s32 $0x1860;
	v15 =	vbroadcast v15, $0x0;
	v8 =	vadd.f32 $-1.000000000e+00, v8;
	v11 =	vand.u32 $0x7FFFFF, v7  }
0x5f: {  	v16 =	vld [tilespmem:s19+$0xFFFFFFF0];
	(erf) = vrcp.f32 v10;
	v10 =	vor.u32 $0x3F800000, v11;
	v13 =	vpop (erf);
	v12 =	vmul.f32 v6, v6  }
0x60: {  	v11 =	vsel vm1, $0x1, v1;
	v14 =	vmul.f32 $5.000000000e-01, v10;
	v13 =	vmul.f32 v13, v8  }
0x61: {  	v8 =	vadd.f32 $-1.000000000e+00, v9;
	vm1 =	vgt.f32 v10, $1.414213540e+00;
	v9 =	vmul.f32 $2.857142980e-01, v12  }
0x62: {  	v7 =	vshra.s32 v7, $0x17;
	v18 =	vsel vm1, $0x1, v1;
	v10 =	vsel vm1, v14, v10  }
0x63: {  	v7 =	vadd.s32 v18, v7;
	v17 =	vadd.f32 $1.000000000e+00, v10;
	v9 =	vadd.f32 $4.000000060e-01, v9  }
0x64: {  	v20 =	vld [tilespmem:s19+$0x0];
	v15 =	vadd.s32 v16, v15;
	v3 =	vadd.s32 $0xFFFFFF81, v3;
	v7 =	vadd.s32 $0xFFFFFF81, v7  }
0x65: {  	(erf) = vrcp.f32 v17;
	v17 =	vmul.u32 $0x6, v19;
	v9 =	vmul.f32 v9, v12  }
0x66: {  	v4 =	vshra.s32 v4, $0x17;
	v3 =	vcvt.s32.f32 v3;
	v19 =	vcvt.s32.f32 v7  }
0x67: {  	v17 =	vbroadcast v17, $0x0;
	v7 =	vadd.f32 $6.666666860e-01, v9;
	v9 =	vadd.s32 v0, v15  }
0x68: {  	v5 =	vshra.s32 v5, $0x17;
	v3 =	vmul.f32 $6.931471820e-01, v3;
	v4 =	vadd.s32 v11, v4;
	v16 =	vpop (erf)  }
0x69: {  	s29 =	simm.s32 $0x70;
	v16 =	vmul.f32 v16, v8;
	v8 =	vadd.s32 v20, v17;
	v7 =	vmul.f32 v7, v12  }
0x6a: {  	v18 =	vmov s29;
	v17 =	vsel vm0, $0x1, v1;
	v12 =	vld [tilespmem:s19+$0x10];
	v8 =	vadd.s32 v0, v8  }
0x6b: {  	v15 =	vmul.u32 $0x6, v18;
	v5 =	vadd.s32 v17, v5;
	v7 =	vadd.f32 $2.000000000e+00, v7  }
0x6c: {  	v14 =	vmul.f32 v13, v13;
	v18 =	vmul.f32 v16, v16;
	v5 =	vadd.s32 $0xFFFFFF81, v5;
	v9 =	vld.idx.msk [tilespmem:v9+s3+$0x0], $0xffff  }
0x6d: {  	v4 =	vadd.s32 $0xFFFFFF81, v4;
	v15 =	vbroadcast v15, $0x0;
	v5 =	vcvt.s32.f32 v5  }
0x6e: {  	v4 =	vcvt.s32.f32 v4;
	v10 =	vadd.f32 $-1.000000000e+00, v10;
	v6 =	vmul.f32 v7, v6  }
0x6f: {  	v17 =	vmul.f32 $2.857142980e-01, v18;
	v20 =	vmul.f32 $6.931471820e-01, v5;
	v11 =	vadd.s32 v12, v15;
	v8 =	vld.idx.msk [tilespmem:v8+s3+$0x0], $0xffff;
	v7 =	vpop (erf)  }
0x70: {  	v5 =	vadd.s32 v0, v11;
	v15 =	vadd.f32 v6, v3;
	v10 =	vmul.f32 v7, v10  }
0x71: {  	v3 =	vmul.f32 $2.857142980e-01, v14;
	v7 =	vadd.f32 $4.000000060e-01, v17;
	v6 =	vand.u32 $0x7FFFFF, v9  }
0x72: {  	v9 =	vshra.s32 v9, $0x17;
	v11 =	vmul.f32 v10, v10;
	v6 =	vor.u32 $0x3F800000, v6  }
0x73: {  	v17 =	vadd.f32 $4.000000060e-01, v3;
	v7 =	vmul.f32 v7, v18;
	v21 =	vmul.f32 $5.000000000e-01, v6  }
0x74: {  	v3 =	vshra.s32 v8, $0x17;
	v8 =	vand.u32 $0x7FFFFF, v8;
	v12 =	vmul.f32 $2.857142980e-01, v11  }
0x75: {  	vm0 =	vgt.f32 v6, $1.414213540e+00;
	v7 =	vadd.f32 $6.666666860e-01, v7;
	v8 =	vor.u32 $0x3F800000, v8  }
0x76: {  	v23 =	vld [tilespmem:s19+$0xFFFFFFE0];
	v21 =	vsel vm0, v21, v6;
	v6 =	vmul.u32 $0x6, v22;
	v12 =	vadd.f32 $4.000000060e-01, v12  }
0x77: {  	v58 =	vmul.f32 $5.000000000e-01, v8;
	v18 =	vmul.f32 v7, v18;
	v7 =	vadd.f32 $1.000000000e+00, v21  }
0x78: {  	v5 =	vld.idx.msk [tilespmem:v5+s3+$0x0], $0xffff;
	v24 =	vsel vm0, $0x1, v1;
	vm0 =	vgt.f32 v8, $1.414213540e+00;
	v12 =	vmul.f32 v12, v11  }
0x79: {  	v6 =	vbroadcast v6, $0x0;
	v22 =	vsel vm0, v58, v8;
	(erf) = vrcp.f32 v7  }
0x7a: {  	v7 =	vadd.s32 v24, v9;
	v8 =	vadd.f32 $1.000000000e+00, v22;
	v9 =	vadd.f32 $6.666666860e-01, v12  }
0x7b: {  	v6 =	vadd.s32 v6, v23;
	v7 =	vadd.s32 $0xFFFFFF81, v7;
	v12 =	vmul.f32 v17, v14  }
0x7c: {  	v17 =	vadd.s32 v0, v6;
	(erf) = vrcp.f32 v8;
	v8 =	vmul.f32 v9, v11  }
0x7d: {  	v6 =	vcvt.s32.f32 v7;
	v9 =	vand.u32 $0x7FFFFF, v5;
	v12 =	vadd.f32 $6.666666860e-01, v12  }
0x7e: {  	s31 =	simm.s32 $0x1C20;
	v7 =	vshra.s32 v5, $0x17;
	v5 =	vor.u32 $0x3F800000, v9;
	v9 =	vadd.f32 $2.000000000e+00, v8  }
0x7f: {  	v60 =	vld [tilespmem:s31+$0xFFFFFFE0];
	v59 =	vmul.f32 $5.000000000e-01, v5;
	v14 =	vmul.f32 v12, v14  }
0x80: {  	v11 =	vld [tilespmem:s31+$0xFFFFFFF0];
	v9 =	vmul.f32 v9, v10;
	v10 =	vmul.f32 $6.931471820e-01, v19  }
0x81: {  	v8 =	vsel vm0, $0x1, v1;
	vm0 =	vgt.f32 v5, $1.414213540e+00;
	v12 =	vld.idx.msk [tilespmem:v17+s3+$0x0], $0xffff;
	v17 =	vadd.f32 $-1.000000000e+00, v21  }
0x82: {  	v5 =	vsel vm0, v59, v5;
	v14 =	vadd.f32 $2.000000000e+00, v14;
	v61 =	vpop (erf);
	v10 =	vadd.f32 v9, v10  }
0x83: {  	v4 =	vmul.f32 $6.931471820e-01, v4;
	v19 =	vadd.f32 $1.000000000e+00, v5;
	v9 =	vmul.f32 v61, v17  }
0x84: {  	v62 =	vld [tilespmem:s31+$0x0];
	v13 =	vmul.f32 v14, v13;
	v14 =	vadd.f32 $2.000000000e+00, v18;
	v10 =	vmul.f32 v10, v60  }
0x85: {  	v15 =	vmul.f32 v15, v11;
	v17 =	vadd.f32 $-1.000000000e+00, v22;
	(erf) = vrcp.f32 v19  }
0x86: {  	v18 =	vpop (erf);
	v11 =	vmul.f32 v9, v9;
	v63 =	vmul.f32 v14, v16;
	v14 =	vadd.f32 v10, v2  }
0x87: {  	v19 =	vadd.f32 v13, v4;
	v4 =	vmul.f32 v18, v17;
	v13 =	vadd.f32 $-1.000000000e+00, v5  }
0x88: {  	v5 =	vand.u32 $0x7FFFFF, v12;
	v16 =	vmul.f32 $2.857142980e-01, v11;
	v15 =	vadd.f32 v15, v14;
	v14 =	vld [tilespmem:s31+$0x10]  }
0x89: {  	v17 =	vor.u32 $0x3F800000, v5;
	v10 =	vmul.f32 v19, v62;
	v5 =	vmul.f32 v4, v4  }
0x8a: {  	s21 =	simm.s32 $0x4;
	s22 =	simm.s32 $0x80;
	s20 =	simm.s32 $0x1C60;
	vm1 =	vgt.f32 v17, $1.414213540e+00;
	v19 =	vmul.f32 $5.000000000e-01, v17;
	v18 =	vadd.f32 v63, v20  }
.LBB2_2:
0x8b: {  	s23 =	sadd.s32 $0x10, s22;
	s21 =	sadd.s32 $0x4, s21;
	v12 =	vshra.s32 v12, $0x17;
	v20 =	vsel vm1, $0x1, v1;
	v16 =	vadd.f32 $4.000000060e-01, v16;
	s19 =	sadd.s32 $0x40, s19  }
0x8c: {  	v10 =	vadd.f32 v10, v15;
	v21 =	vmov s23;
	v22 =	vld [tilespmem:s19+$0xFFFFFFF0];
	p1 =	slt.u32 s21, $0x3C;
	v17 =	vsel vm1, v19, v17  }
0x8d: {  	s23 =	sadd.s32 $0x20, s22;
	v14 =	vmul.f32 v18, v14;
	v15 =	vmul.u32 $0x6, v21;
	v19 =	vadd.f32 $1.000000000e+00, v17  }
0x8e: {  	v12 =	vadd.s32 v20, v12;
	v18 =	vmov s23;
	v16 =	vmul.f32 v16, v11;
	v21 =	vld [tilespmem:s19+$0x0];
	v20 =	vpop (erf)  }
0x8f: {  	s23 =	sadd.s32 $0x30, s22;
	v18 =	vmul.u32 $0x6, v18;
	v15 =	vbroadcast v15, $0x0;
	(erf) = vrcp.f32 v19  }
0x90: {  	v12 =	vadd.s32 $0xFFFFFF81, v12;
	v10 =	vadd.f32 v14, v10;
	v19 =	vmov s23  }
0x91: {  	v12 =	vcvt.s32.f32 v12;
	v14 =	vadd.s32 v22, v15;
	v15 =	vbroadcast v18, $0x0  }
0x92: {  	v16 =	vadd.f32 $6.666666860e-01, v16;
	v19 =	vmul.u32 $0x6, v19;
	v14 =	vadd.s32 v0, v14;
	v18 =	vld [tilespmem:s19+$0x10]  }
0x93: {  	v13 =	vmul.f32 v20, v13;
	v15 =	vadd.s32 v21, v15;
	v21 =	vsel vm0, $0x1, v1  }
0x94: {  	v6 =	vmul.f32 $6.931471820e-01, v6;
	v11 =	vmul.f32 v16, v11;
	v15 =	vadd.s32 v0, v15  }
0x95: {  	v16 =	vbroadcast v19, $0x0;
	v19 =	vmul.f32 v13, v13;
	v7 =	vadd.s32 v21, v7  }
0x96: {  	v3 =	vadd.s32 v8, v3;
	v20 =	vadd.f32 $2.000000000e+00, v11;
	v7 =	vadd.s32 $0xFFFFFF81, v7  }
0x97: {  	v8 =	vld.idx.msk [tilespmem:v14+s3+$0x0], $0xffff;
	v14 =	vadd.s32 v18, v16;
	v16 =	vadd.f32 $-1.000000000e+00, v17;
	v17 =	vmul.f32 $2.857142980e-01, v19  }
0x98: {  	v9 =	vmul.f32 v20, v9;
	v7 =	vcvt.s32.f32 v7;
	v14 =	vadd.s32 v0, v14;
	v11 =	vpop (erf)  }
0x99: {  	v3 =	vadd.s32 $0xFFFFFF81, v3;
	v15 =	vld.idx.msk [tilespmem:v15+s3+$0x0], $0xffff;
	v11 =	vmul.f32 v11, v16;
	v16 =	vadd.f32 $4.000000060e-01, v17  }
0x9a: {  	v3 =	vcvt.s32.f32 v3;
	v9 =	vadd.f32 v9, v6;
	v18 =	vmul.f32 $6.931471820e-01, v7  }
0x9b: {  	v6 =	vmul.f32 v11, v11;
	v7 =	vmul.f32 v16, v19  }
0x9c: {  	v17 =	vmul.f32 $6.931471820e-01, v3;
	v16 =	vmul.f32 $2.857142980e-01, v5  }
0x9d: {  	v3 =	vand.u32 $0x7FFFFF, v8;
	v20 =	vmul.f32 $2.857142980e-01, v6;
	v7 =	vadd.f32 $6.666666860e-01, v7  }
0x9e: {  	v8 =	vshra.s32 v8, $0x17;
	v21 =	vor.u32 $0x3F800000, v3;
	v16 =	vadd.f32 $4.000000060e-01, v16  }
0x9f: {  	v22 =	vmul.f32 $5.000000000e-01, v21;
	v3 =	vshra.s32 v15, $0x17;
	v15 =	vand.u32 $0x7FFFFF, v15  }
0xa0: {  	vm0 =	vgt.f32 v21, $1.414213540e+00;
	v15 =	vor.u32 $0x3F800000, v15;
	v20 =	vadd.f32 $4.000000060e-01, v20  }
0xa1: {  	v23 =	vmov s22;
	v19 =	vmul.f32 v7, v19;
	v21 =	vsel vm0, v22, v21;
	v24 =	vld [tilespmem:s19+$0xFFFFFFE0]  }
0xa2: {  	v7 =	vmul.u32 $0x6, v23;
	v23 =	vmul.f32 $5.000000000e-01, v15;
	v22 =	vadd.f32 $1.000000000e+00, v21;
	v14 =	vld.idx.msk [tilespmem:v14+s3+$0x0], $0xffff  }
0xa3: {  	v25 =	vsel vm0, $0x1, v1;
	vm0 =	vgt.f32 v15, $1.414213540e+00;
	v20 =	vmul.f32 v20, v6  }
0xa4: {  	v7 =	vbroadcast v7, $0x0;
	v15 =	vsel vm0, v23, v15;
	(erf) = vrcp.f32 v22  }
0xa5: {  	v8 =	vadd.s32 v25, v8;
	v20 =	vadd.f32 $6.666666860e-01, v20;
	v22 =	vadd.f32 $1.000000000e+00, v15  }
0xa6: {  	v16 =	vmul.f32 v16, v5;
	v8 =	vadd.s32 $0xFFFFFF81, v8;
	v7 =	vadd.s32 v7, v24  }
0xa7: {  	v20 =	vmul.f32 v20, v6;
	v23 =	vadd.s32 v0, v7;
	(erf) = vrcp.f32 v22  }
0xa8: {  	v16 =	vadd.f32 $6.666666860e-01, v16;
	v6 =	vcvt.s32.f32 v8;
	v8 =	vand.u32 $0x7FFFFF, v14;
	v22 =	vld [tilespmem:s20+$0xFFFFFFF0]  }
0xa9: {  	v7 =	vshra.s32 v14, $0x17;
	v20 =	vadd.f32 $2.000000000e+00, v20;
	v14 =	vor.u32 $0x3F800000, v8  }
0xaa: {  	v5 =	vmul.f32 v16, v5;
	v8 =	vsel vm0, $0x1, v1;
	v24 =	vmul.f32 $5.000000000e-01, v14;
	v25 =	vld [tilespmem:s20+$0xFFFFFFE0]  }
0xab: {  	v16 =	vmul.f32 $6.931471820e-01, v12;
	vm0 =	vgt.f32 v14, $1.414213540e+00;
	v11 =	vmul.f32 v20, v11  }
0xac: {  	v5 =	vadd.f32 $2.000000000e+00, v5;
	v20 =	vadd.f32 $-1.000000000e+00, v21;
	v14 =	vsel vm0, v24, v14;
	v12 =	vld.idx.msk [tilespmem:v23+s3+$0x0], $0xffff  }
0xad: {  	v11 =	vadd.f32 v11, v16;
	v21 =	vadd.f32 $1.000000000e+00, v14;
	v23 =	vpop (erf);
	v22 =	vmul.f32 v9, v22;
	v24 =	vld [tilespmem:s20+$0x0]  }
0xae: {  	v4 =	vmul.f32 v5, v4;
	v5 =	vadd.f32 $2.000000000e+00, v19;
	v9 =	vmul.f32 v23, v20  }
0xaf: {  	v15 =	vadd.f32 $-1.000000000e+00, v15;
	(erf) = vrcp.f32 v21;
	v16 =	vmul.f32 v11, v25  }
.Ltmp2:
0xb0: {  	v17 =	vadd.f32 v4, v17;
	v20 =	vmul.f32 v5, v13;
	v11 =	vmul.f32 v9, v9;
	v19 =	vpop (erf);
	(pc) =	sbr.rel @p1 .LBB2_2-.Ltmp2, $4  }
0xb1: {  	v13 =	vadd.f32 $-1.000000000e+00, v14;
	v4 =	vmul.f32 v19, v15;
	v15 =	vadd.f32 v16, v10;
	v14 =	vld [tilespmem:s20+$0x10]  }
0xb2: {  	v5 =	vand.u32 $0x7FFFFF, v12;
	v16 =	vmul.f32 $2.857142980e-01, v11;
	v10 =	vmul.f32 v17, v24  }
0xb3: {  	v17 =	vor.u32 $0x3F800000, v5;
	v5 =	vmul.f32 v4, v4;
	v15 =	vadd.f32 v22, v15  }
0xb4: {  	s22 =	sadd.s32 $0x40, s22;
	v18 =	vadd.f32 v20, v18;
	s20 =	sadd.s32 $0x40, s20;
	vm1 =	vgt.f32 v17, $1.414213540e+00;
	v19 =	vmul.f32 $5.000000000e-01, v17  }
0xb5: {  	_ = 	snop  }
0xb6: {  	v17 =	vsel vm1, v19, v17  }
0xb7: {  	v19 =	vadd.f32 $1.000000000e+00, v17;
	_ =	sdelay $0x1  }
0xb8: {  	(erf) = vrcp.f32 v19;
	_ =	sdelay $0x7  }
0xb9: {  	v17 =	vadd.f32 $-1.000000000e+00, v17;
	v41 =	vpop (erf)  }
0xba: {  	v20 =	vpop (erf)  }
0xbb: {  	v17 =	vmul.f32 v20, v17;
	_ =	sdelay $0x1  }
0xbc: {  	v20 =	vmul.f32 v17, v17;
	_ =	sdelay $0x1  }
0xbd: {  	v21 =	vmul.f32 $2.857142980e-01, v20  }
0xbe: {  	v12 =	vshra.s32 v12, $0x17;
	v16 =	vadd.f32 $4.000000060e-01, v16;
	v42 =	vsel vm1, $0x1, v1  }
0xbf: {  	v10 =	vadd.f32 v10, v15;
	v13 =	vmul.f32 v41, v13;
	v43 =	vadd.f32 $4.000000060e-01, v21  }
0xc0: {  	v45 =	vmul.f32 $2.857142980e-01, v5;
	v50 =	vsel vm0, $0x1, v1;
	v6 =	vmul.f32 $6.931471820e-01, v6  }
0xc1: {  	v3 =	vadd.s32 v8, v3;
	v46 =	vmul.f32 v13, v13;
	v19 =	vmul.f32 v43, v20  }
0xc2: {  	v14 =	vmul.f32 v18, v14;
	v12 =	vadd.s32 v42, v12;
	v44 =	vmul.f32 v16, v11  }
0xc3: {  	v16 =	vadd.f32 $4.000000060e-01, v45;
	v47 =	vmul.f32 $2.857142980e-01, v46;
	v19 =	vadd.f32 $6.666666860e-01, v19  }
0xc4: {  	v7 =	vadd.s32 v50, v7;
	v12 =	vadd.s32 $0xFFFFFF81, v12;
	v15 =	vadd.f32 $6.666666860e-01, v44  }
0xc5: {  	v49 =	vmul.f32 v16, v5;
	v51 =	vadd.f32 $4.000000060e-01, v47;
	v19 =	vmul.f32 v19, v20  }
0xc6: {  	v12 =	vcvt.s32.f32 v12;
	v10 =	vadd.f32 v14, v10;
	v48 =	vmul.f32 v15, v11  }
0xc7: {  	v14 =	vadd.f32 $6.666666860e-01, v49;
	v52 =	vmul.f32 v51, v46;
	v53 =	vadd.f32 $2.000000000e+00, v19  }
0xc8: {  	v54 =	vld [tilespmem:s20+$0xFFFFFFE0];
	v3 =	vadd.s32 $0xFFFFFF81, v3;
	v12 =	vmul.f32 $6.931471820e-01, v12;
	v11 =	vadd.f32 $2.000000000e+00, v48  }
0xc9: {  	v56 =	vld [tilespmem:s20+$0xFFFFFFF0];
	v55 =	vmul.f32 v14, v5;
	v8 =	vadd.f32 $6.666666860e-01, v52;
	v15 =	vmul.f32 v53, v17  }
0xca: {  	v7 =	vadd.s32 $0xFFFFFF81, v7;
	v3 =	vcvt.s32.f32 v3;
	v9 =	vmul.f32 v11, v9  }
0xcb: {  	v5 =	vadd.f32 $2.000000000e+00, v55;
	v8 =	vmul.f32 v8, v46;
	v57 =	vadd.f32 v15, v12  }
0xcc: {  	v58 =	vld [tilespmem:s20+$0x0];
	v7 =	vcvt.s32.f32 v7;
	v3 =	vmul.f32 $6.931471820e-01, v3;
	v6 =	vadd.f32 v9, v6  }
0xcd: {  	v4 =	vmul.f32 v5, v4;
	v59 =	vadd.f32 $2.000000000e+00, v8;
	v60 =	vmul.f32 v57, v54  }
0xce: {  	v61 =	vld [tilespmem:s20+$0x10];
	v7 =	vmul.f32 $6.931471820e-01, v7;
	v6 =	vmul.f32 v6, v56  }
0xcf: {  	v3 =	vadd.f32 v4, v3;
	v62 =	vmul.f32 v59, v13;
	v63 =	vadd.f32 v60, v10;
	_ =	sdelay $0x1  }
0xd0: {  	v3 =	vmul.f32 v3, v58;
	v4 =	vadd.f32 v62, v7;
	v5 =	vadd.f32 v6, v63;
	_ =	sdelay $0x1  }
0xd1: {  	v4 =	vmul.f32 v4, v61;
	v3 =	vadd.f32 v3, v5;
	_ =	sdelay $0x1  }
0xd2: {  	v3 =	vadd.f32 v4, v3;
	_ =	sdelay $0x1  }
0xd3: {  	[tilespmem:$0x2000] =	vst v3  }
0xd4: {  	[spmem:s7] =	stream.linear.scatter [tilespmem:s14], [sflag:$0x5], $0x10, $0x38;
	[tilespmem:$0x2190] =	vst v63  }
0xd5: {  	_ =	swait.ge [sflag:s15], $0x10  }
0xd6: {  	[sflag:s15] =	ssyncset.done $0x0  }
0xd7: {  	[sflag:s15] =	ssyncadd.s32 $0xFFFFFFF0  }
.Ltmp3:
0xd8: {  	[sflag:s16] =	ssyncset.done $0x0;
	(pc) =	sbr.rel @p0 .LBB2_7-.Ltmp3, $4  }
0xd9: {  	[smem:s3], [sflag:$0x4] =	smem.add.s32 $0x1  }
0xda: {  	_ =	swait.done [sflag:s16]  }
0xdb: {  	[sflag:s16] =	ssyncset.s32 $0x0  }
0xdc: {  	[sflag:s16] =	ssyncset.done $0x0  }
0xdd: {  	[tilespmem:s17], [sflag:$0x5] =	stream.linear.gather [spmem:s2], $0x100, $0x38;
	[tilespmem:$0x2190] =	vst v63  }
0xde: {  	_ =	swait.ge [sflag:s15], $0x100  }
0xdf: {  	[sflag:s15] =	ssyncset.done $0x0  }
0xe0: {  	[sflag:s15] =	ssyncadd.s32 $0xFFFFFF00  }
0xe1: {  	v34 =	vld [tilespmem:$0x2090]  }
0xe2: {  	v33 =	vld [tilespmem:$0x20A0]  }
0xe3: {  	v32 =	vld [tilespmem:$0x20B0]  }
0xe4: {  	v31 =	vld [tilespmem:$0x20C0]  }
0xe5: {  	v30 =	vld [tilespmem:$0x20D0]  }
0xe6: {  	v29 =	vld [tilespmem:$0x20E0]  }
0xe7: {  	v28 =	vld [tilespmem:$0x20F0]  }
0xe8: {  	v27 =	vld [tilespmem:$0x2100]  }
0xe9: {  	v26 =	vld [tilespmem:$0x2110]  }
0xea: {  	v25 =	vld [tilespmem:$0x2120]  }
0xeb: {  	v24 =	vld [tilespmem:$0x2130]  }
0xec: {  	v23 =	vld [tilespmem:$0x2140]  }
0xed: {  	v22 =	vld [tilespmem:$0x2150]  }
0xee: {  	v21 =	vld [tilespmem:$0x2160]  }
0xef: {  	v20 =	vld [tilespmem:$0x2170]  }
0xf0: {  	v19 =	vld [tilespmem:$0x2180]  }
.LBB2_5:
0xf1: {  	[tilespmem:s17], [sflag:$0x5] =	stream.linear.gather [spmem:s2], $0x100, $0x38;
	[tilespmem:$0x2190] =	vst v63  }
0xf2: {  	_ =	swait.ge [sflag:s15], $0x100  }
0xf3: {  	[sflag:s15] =	ssyncset.done $0x0  }
0xf4: {  	[sflag:s15] =	ssyncadd.s32 $0xFFFFFF00  }
0xf5: {  	v3 =	vld [tilespmem:$0x2090];
	_ =	sdelay $0x2  }
0xf6: {  	v4 =	vld [tilespmem:$0x20A0]  }
0xf7: {  	v5 =	vld [tilespmem:$0x20B0]  }
0xf8: {  	v6 =	vld [tilespmem:$0x20C0];
	vm0 =	veq.s32 v34, v3  }
0xf9: {  	v7 =	vld [tilespmem:$0x20D0];
	v9 =	vsel vm0, $0x3F800000, v2  }
0xfa: {  	v8 =	vld [tilespmem:$0x20E0];
	(xrf0) =	vmin.scan.msk.f32 $0xffff, v9  }
0xfb: {  	vm13 =	veq.s32 v33, v4;
	v9 =	vld [tilespmem:$0x20F0]  }
0xfc: {  	v10 =	vld [tilespmem:$0x2100];
	vm14 =	veq.s32 v32, v5;
	v12 =	vsel vm13, $0x3F800000, v2  }
0xfd: {  	v11 =	vld [tilespmem:$0x2110];
	vm15 =	veq.s32 v31, v6;
	v13 =	vsel vm14, $0x3F800000, v2;
	(xrf0) =	vmin.scan.msk.f32 $0xffff, v12  }
0xfe: {  	vm4 =	veq.s32 v30, v7;
	v14 =	vsel vm15, $0x3F800000, v2;
	v12 =	vld [tilespmem:$0x2120];
	(xrf0) =	vmin.scan.msk.f32 $0xffff, v13  }
0xff: {  	vm5 =	veq.s32 v29, v8;
	v15 =	vsel vm4, $0x3F800000, v2;
	v13 =	vld [tilespmem:$0x2130];
	(xrf0) =	vmin.scan.msk.f32 $0xffff, v14  }
0x100: {  	v17 =	vsel vm5, $0x3F800000, v2;
	v14 =	vld [tilespmem:$0x2140];
	vm6 =	veq.s32 v28, v9;
	v16, _, _ =	vpop (xrf0);
	(xrf0) =	vmin.scan.msk.f32 $0xffff, v15  }
0x101: {  	vm7 =	veq.s32 v27, v10;
	v15 =	vld [tilespmem:$0x2150];
	(v2sf) =	vpush v16, $0xF;
	(xrf0) =	vmin.scan.msk.f32 $0xffff, v17;
	v17 =	vsel vm6, $0x3F800000, v2  }
0x102: {  	vm8 =	veq.s32 v26, v11;
	v18 =	vsel vm7, $0x3F800000, v2;
	v16 =	vld [tilespmem:$0x2160];
	(xrf0) =	vmin.scan.msk.f32 $0xffff, v17  }
0x103: {  	v27 =	vsel vm8, $0x3F800000, v2;
	v26, _, _ =	vpop (xrf0);
	v17 =	vld [tilespmem:$0x2170];
	(xrf0) =	vmin.scan.msk.f32 $0xffff, v18  }
0x104: {  	vm9 =	veq.s32 v25, v12;
	vm10 =	veq.s32 v24, v13;
	(v2sf) =	vpush v26, $0xF;
	v25, _, _ =	vpop (xrf0);
	v18 =	vld [tilespmem:$0x2180]  }
0x105: {  	v26 =	vsel vm9, $0x3F800000, v2;
	vm11 =	veq.s32 v23, v14;
	(v2sf) =	vpush v25, $0xF;
	v24, _, _ =	vpop (xrf0);
	(xrf0) =	vmin.scan.msk.f32 $0xffff, v27  }
0x106: {  	v25 =	vsel vm10, $0x3F800000, v2;
	(v2sf) =	vpush v24, $0xF;
	v24 =	vsel vm11, $0x3F800000, v2;
	(xrf0) =	vmin.scan.msk.f32 $0xffff, v26;
	v23, _, _ =	vpop (xrf0)  }
0x107: {  	vm12 =	veq.s32 v22, v15;
	(xrf0) =	vmin.scan.msk.f32 $0xffff, v25;
	vm13 =	veq.s32 v21, v16;
	(v2sf) =	vpush v23, $0xF;
	v22, _, _ =	vpop (xrf0)  }
0x108: {  	(xrf0) =	vmin.scan.msk.f32 $0xffff, v24;
	v23 =	vsel vm12, $0x3F800000, v2;
	vm14 =	veq.s32 v20, v17;
	(v2sf) =	vpush v22, $0xF;
	v21, _, _ =	vpop (xrf0)  }
0x109: {  	(xrf0) =	vmin.scan.msk.f32 $0xffff, v23;
	v22 =	vsel vm13, $0x3F800000, v2;
	vm15 =	veq.s32 v19, v18;
	(v2sf) =	vpush v21, $0xF;
	v20, _, _ =	vpop (xrf0)  }
0x10a: {  	(xrf0) =	vmin.scan.msk.f32 $0xffff, v22;
	v21 =	vsel vm14, $0x3F800000, v2;
	(v2sf) =	vpush v20, $0xF;
	v20 =	vsel vm15, $0x3F800000, v2  }
0x10b: {  	v19, _, _ =	vpop (xrf0);
	(xrf0) =	vmin.scan.msk.f32 $0xffff, v21  }
0x10c: {  	(v2sf) =	vpush v19, $0xF;
	v19, _, _ =	vpop (xrf0);
	(xrf0) =	vmin.scan.msk.f32 $0xffff, v20  }
0x10d: {  	(v2sf) =	vpush v19, $0xF;
	v20, _, _ =	vpop (xrf0)  }
0x10e: {  	v19, _, _ =	vpop (xrf0);
	(v2sf) =	vpush v20, $0xF  }
0x10f: {  	v20, _, _ =	vpop (xrf0);
	(v2sf) =	vpush v19, $0xF  }
0x110: {  	v19, _, _ =	vpop (xrf0);
	(v2sf) =	vpush v20, $0xF;
	s19 =	spop (v2sf)  }
0x111: {  	v20, _, _ =	vpop (xrf0);
	(v2sf) =	vpush v19, $0xF;
	p1 =	sgt.f32 s19, $0.0e+00  }
0x112: {  	(v2sf) =	vpush v20, $0xF;
	v19, _, _ =	vpop (xrf0)  }
0x113: {  	(v2sf) =	vpush v19, $0xF;
	v19 =	vpsel p1, v18, v18;
	v20 =	vpsel p1, v17, v17  }
0x114: {  	s19 =	spop (v2sf);
	v21 =	vpsel p1, v16, v16;
	v22 =	vpsel p1, v15, v15;
	v23 =	vpsel p1, v14, v14  }
0x115: {  	v24 =	vpsel p1, v13, v13;
	p2 =	sgt.f32 @p1 s19, $0.0e+00;
	v25 =	vpsel p1, v12, v12;
	v26 =	vpsel p1, v11, v11  }
0x116: {  	v27 =	vpsel p1, v10, v10;
	v28 =	vpsel p1, v9, v9;
	v29 =	vpsel p1, v8, v8  }
0x117: {  	v30 =	vpsel p1, v7, v7;
	v31 =	vpsel p1, v6, v6;
	v61 =	vpsel p1, v5, v5;
	p2 =	por !p1, !p2  }
0x118: {  	v62 =	vpsel p1, v4, v4;
	v63 =	vpsel p1, v3, v3;
	v19 =	vpsel p2, v19, v18  }
0x119: {  	v20 =	vpsel p2, v20, v17;
	v21 =	vpsel p2, v21, v16;
	v22 =	vpsel p2, v22, v15  }
0x11a: {  	s19 =	spop (v2sf);
	v23 =	vpsel p2, v23, v14;
	v24 =	vpsel p2, v24, v13;
	v25 =	vpsel p2, v25, v12  }
0x11b: {  	p1 =	sgt.f32 @!p2 s19, $0.0e+00;
	v26 =	vpsel p2, v26, v11;
	v27 =	vpsel p2, v27, v10;
	v28 =	vpsel p2, v28, v9  }
0x11c: {  	v29 =	vpsel p2, v29, v8;
	v30 =	vpsel p2, v30, v7;
	v31 =	vpsel p2, v31, v6  }
0x11d: {  	v32 =	vpsel p2, v61, v5;
	v33 =	vpsel p2, v62, v4;
	v34 =	vpsel p2, v63, v3;
	p1 =	por p2, !p1  }
0x11e: {  	v19 =	vpsel p1, v19, v18;
	v20 =	vpsel p1, v20, v17;
	v21 =	vpsel p1, v21, v16  }
0x11f: {  	s19 =	spop (v2sf);
	v22 =	vpsel p1, v22, v15;
	v23 =	vpsel p1, v23, v14;
	v24 =	vpsel p1, v24, v13  }
0x120: {  	v25 =	vpsel p1, v25, v12;
	p2 =	sgt.f32 @!p1 s19, $0.0e+00;
	v26 =	vpsel p1, v26, v11;
	v27 =	vpsel p1, v27, v10  }
0x121: {  	v28 =	vpsel p1, v28, v9;
	v29 =	vpsel p1, v29, v8;
	v30 =	vpsel p1, v30, v7  }
0x122: {  	v31 =	vpsel p1, v31, v6;
	v32 =	vpsel p1, v32, v5;
	v33 =	vpsel p1, v33, v4;
	p3 =	por p1, !p2  }
0x123: {  	v34 =	vpsel p1, v34, v3;
	v19 =	vpsel p3, v19, v18;
	v20 =	vpsel p3, v20, v17  }
0x124: {  	s19 =	spop (v2sf);
	v21 =	vpsel p3, v21, v16;
	v22 =	vpsel p3, v22, v15;
	v23 =	vpsel p3, v23, v14  }
0x125: {  	v24 =	vpsel p3, v24, v13;
	p1 =	sgt.f32 @!p3 s19, $0.0e+00;
	v25 =	vpsel p3, v25, v12;
	v26 =	vpsel p3, v26, v11  }
0x126: {  	v27 =	vpsel p3, v27, v10;
	v28 =	vpsel p3, v28, v9;
	v29 =	vpsel p3, v29, v8  }
0x127: {  	v30 =	vpsel p3, v30, v7;
	v31 =	vpsel p3, v31, v6;
	v32 =	vpsel p3, v32, v5;
	p2 =	por p3, !p1  }
0x128: {  	v33 =	vpsel p3, v33, v4;
	v34 =	vpsel p3, v34, v3;
	v19 =	vpsel p2, v19, v18  }
0x129: {  	v20 =	vpsel p2, v20, v17;
	v21 =	vpsel p2, v21, v16;
	v22 =	vpsel p2, v22, v15  }
0x12a: {  	s19 =	spop (v2sf);
	v23 =	vpsel p2, v23, v14;
	v24 =	vpsel p2, v24, v13;
	v25 =	vpsel p2, v25, v12  }
0x12b: {  	p1 =	sgt.f32 @!p2 s19, $0.0e+00;
	v26 =	vpsel p2, v26, v11;
	v27 =	vpsel p2, v27, v10;
	v28 =	vpsel p2, v28, v9  }
0x12c: {  	v29 =	vpsel p2, v29, v8;
	v30 =	vpsel p2, v30, v7;
	v31 =	vpsel p2, v31, v6  }
0x12d: {  	v32 =	vpsel p2, v32, v5;
	v33 =	vpsel p2, v33, v4;
	v34 =	vpsel p2, v34, v3;
	p1 =	por p2, !p1  }
0x12e: {  	v19 =	vpsel p1, v19, v18;
	v20 =	vpsel p1, v20, v17;
	v21 =	vpsel p1, v21, v16  }
0x12f: {  	s19 =	spop (v2sf);
	v22 =	vpsel p1, v22, v15;
	v23 =	vpsel p1, v23, v14;
	v24 =	vpsel p1, v24, v13  }
0x130: {  	v25 =	vpsel p1, v25, v12;
	p2 =	sgt.f32 @!p1 s19, $0.0e+00;
	v26 =	vpsel p1, v26, v11;
	v27 =	vpsel p1, v27, v10  }
0x131: {  	v28 =	vpsel p1, v28, v9;
	v29 =	vpsel p1, v29, v8;
	v30 =	vpsel p1, v30, v7  }
0x132: {  	v31 =	vpsel p1, v31, v6;
	v32 =	vpsel p1, v32, v5;
	v33 =	vpsel p1, v33, v4;
	p3 =	por p1, !p2  }
0x133: {  	v34 =	vpsel p1, v34, v3;
	v19 =	vpsel p3, v19, v18;
	v20 =	vpsel p3, v20, v17  }
0x134: {  	s19 =	spop (v2sf);
	v21 =	vpsel p3, v21, v16;
	v22 =	vpsel p3, v22, v15;
	v23 =	vpsel p3, v23, v14  }
0x135: {  	v24 =	vpsel p3, v24, v13;
	p1 =	sgt.f32 @!p3 s19, $0.0e+00;
	v25 =	vpsel p3, v25, v12;
	v26 =	vpsel p3, v26, v11  }
0x136: {  	v27 =	vpsel p3, v27, v10;
	v28 =	vpsel p3, v28, v9;
	v29 =	vpsel p3, v29, v8  }
0x137: {  	v30 =	vpsel p3, v30, v7;
	v31 =	vpsel p3, v31, v6;
	v32 =	vpsel p3, v32, v5;
	p2 =	por p3, !p1  }
0x138: {  	v33 =	vpsel p3, v33, v4;
	v34 =	vpsel p3, v34, v3;
	v19 =	vpsel p2, v19, v18  }
0x139: {  	v20 =	vpsel p2, v20, v17;
	v21 =	vpsel p2, v21, v16;
	v22 =	vpsel p2, v22, v15  }
0x13a: {  	s19 =	spop (v2sf);
	v23 =	vpsel p2, v23, v14;
	v24 =	vpsel p2, v24, v13;
	v25 =	vpsel p2, v25, v12  }
0x13b: {  	p1 =	sgt.f32 @!p2 s19, $0.0e+00;
	v26 =	vpsel p2, v26, v11;
	v27 =	vpsel p2, v27, v10;
	v28 =	vpsel p2, v28, v9  }
0x13c: {  	v29 =	vpsel p2, v29, v8;
	v30 =	vpsel p2, v30, v7;
	v31 =	vpsel p2, v31, v6  }
0x13d: {  	v32 =	vpsel p2, v32, v5;
	v33 =	vpsel p2, v33, v4;
	v34 =	vpsel p2, v34, v3;
	p1 =	por p2, !p1  }
0x13e: {  	v19 =	vpsel p1, v19, v18;
	v20 =	vpsel p1, v20, v17;
	v21 =	vpsel p1, v21, v16  }
0x13f: {  	s19 =	spop (v2sf);
	v22 =	vpsel p1, v22, v15;
	v23 =	vpsel p1, v23, v14;
	v24 =	vpsel p1, v24, v13  }
0x140: {  	v25 =	vpsel p1, v25, v12;
	p2 =	sgt.f32 @!p1 s19, $0.0e+00;
	v26 =	vpsel p1, v26, v11;
	v27 =	vpsel p1, v27, v10  }
0x141: {  	v28 =	vpsel p1, v28, v9;
	v29 =	vpsel p1, v29, v8;
	v30 =	vpsel p1, v30, v7  }
0x142: {  	v31 =	vpsel p1, v31, v6;
	v32 =	vpsel p1, v32, v5;
	v33 =	vpsel p1, v33, v4;
	p3 =	por p1, !p2  }
0x143: {  	v34 =	vpsel p1, v34, v3;
	v19 =	vpsel p3, v19, v18;
	v20 =	vpsel p3, v20, v17  }
0x144: {  	s19 =	spop (v2sf);
	v21 =	vpsel p3, v21, v16;
	v22 =	vpsel p3, v22, v15;
	v23 =	vpsel p3, v23, v14  }
0x145: {  	v24 =	vpsel p3, v24, v13;
	p1 =	sgt.f32 @!p3 s19, $0.0e+00;
	v25 =	vpsel p3, v25, v12;
	v26 =	vpsel p3, v26, v11  }
0x146: {  	v27 =	vpsel p3, v27, v10;
	v28 =	vpsel p3, v28, v9;
	v29 =	vpsel p3, v29, v8  }
0x147: {  	v30 =	vpsel p3, v30, v7;
	v31 =	vpsel p3, v31, v6;
	v32 =	vpsel p3, v32, v5;
	p2 =	por p3, !p1  }
0x148: {  	v33 =	vpsel p3, v33, v4;
	v34 =	vpsel p3, v34, v3;
	v19 =	vpsel p2, v19, v18  }
0x149: {  	v20 =	vpsel p2, v20, v17;
	v21 =	vpsel p2, v21, v16;
	v22 =	vpsel p2, v22, v15  }
0x14a: {  	s19 =	spop (v2sf);
	v23 =	vpsel p2, v23, v14;
	v24 =	vpsel p2, v24, v13;
	v25 =	vpsel p2, v25, v12  }
0x14b: {  	p1 =	sgt.f32 @!p2 s19, $0.0e+00;
	v26 =	vpsel p2, v26, v11;
	v27 =	vpsel p2, v27, v10;
	v28 =	vpsel p2, v28, v9  }
0x14c: {  	v29 =	vpsel p2, v29, v8;
	v30 =	vpsel p2, v30, v7;
	v31 =	vpsel p2, v31, v6  }
0x14d: {  	v32 =	vpsel p2, v32, v5;
	v33 =	vpsel p2, v33, v4;
	v34 =	vpsel p2, v34, v3;
	p1 =	por p2, !p1  }
0x14e: {  	v19 =	vpsel p1, v19, v18;
	v20 =	vpsel p1, v20, v17;
	v21 =	vpsel p1, v21, v16  }
0x14f: {  	s19 =	spop (v2sf);
	v22 =	vpsel p1, v22, v15;
	v23 =	vpsel p1, v23, v14;
	v24 =	vpsel p1, v24, v13  }
0x150: {  	v25 =	vpsel p1, v25, v12;
	p2 =	sgt.f32 @!p1 s19, $0.0e+00;
	v26 =	vpsel p1, v26, v11;
	v27 =	vpsel p1, v27, v10  }
0x151: {  	v28 =	vpsel p1, v28, v9;
	v29 =	vpsel p1, v29, v8;
	v30 =	vpsel p1, v30, v7  }
0x152: {  	v31 =	vpsel p1, v31, v6;
	v32 =	vpsel p1, v32, v5;
	v33 =	vpsel p1, v33, v4;
	p3 =	por p1, !p2  }
0x153: {  	v34 =	vpsel p1, v34, v3;
	v19 =	vpsel p3, v19, v18;
	v20 =	vpsel p3, v20, v17  }
0x154: {  	s19 =	spop (v2sf);
	v21 =	vpsel p3, v21, v16;
	v22 =	vpsel p3, v22, v15;
	v23 =	vpsel p3, v23, v14  }
0x155: {  	v24 =	vpsel p3, v24, v13;
	p1 =	sgt.f32 @!p3 s19, $0.0e+00;
	v25 =	vpsel p3, v25, v12;
	v26 =	vpsel p3, v26, v11  }
0x156: {  	v27 =	vpsel p3, v27, v10;
	v28 =	vpsel p3, v28, v9;
	v29 =	vpsel p3, v29, v8  }
0x157: {  	v30 =	vpsel p3, v30, v7;
	v31 =	vpsel p3, v31, v6;
	v32 =	vpsel p3, v32, v5;
	p2 =	por p3, !p1  }
0x158: {  	v33 =	vpsel p3, v33, v4;
	v34 =	vpsel p3, v34, v3;
	v19 =	vpsel p2, v19, v18  }
0x159: {  	s19 =	spop (v2sf);
	v20 =	vpsel p2, v20, v17;
	v21 =	vpsel p2, v21, v16;
	v22 =	vpsel p2, v22, v15  }
0x15a: {  	v23 =	vpsel p2, v23, v14;
	p1 =	sgt.f32 @!p2 s19, $0.0e+00;
	v24 =	vpsel p2, v24, v13;
	v25 =	vpsel p2, v25, v12  }
0x15b: {  	v26 =	vpsel p2, v26, v11;
	v27 =	vpsel p2, v27, v10;
	v28 =	vpsel p2, v28, v9  }
0x15c: {  	v29 =	vpsel p2, v29, v8;
	v30 =	vpsel p2, v30, v7;
	v31 =	vpsel p2, v31, v6;
	s19 =	spop (v2sf);
	p1 =	por p2, !p1  }
0x15d: {  	v32 =	vpsel p2, v32, v5;
	v33 =	vpsel p2, v33, v4;
	v34 =	vpsel p2, v34, v3;
	p2 =	sgt.f32 @!p1 s19, $0.0e+00;
	_ =	sdelay $0x1  }
0x15e: {  	v19 =	vpsel p1, v19, v18;
	p2 =	por p1, !p2  }
.Ltmp4:
0x15f: {  	v20 =	vpsel p1, v20, v17;
	v21 =	vpsel p1, v21, v16;
	v22 =	vpsel p1, v22, v15;
	(pc) =	sbr.rel @p2 .LBB2_5-.Ltmp4, $4  }
0x160: {  	v23 =	vpsel p1, v23, v14;
	v24 =	vpsel p1, v24, v13;
	v25 =	vpsel p1, v25, v12  }
0x161: {  	v26 =	vpsel p1, v26, v11;
	v27 =	vpsel p1, v27, v10;
	v28 =	vpsel p1, v28, v9  }
0x162: {  	v29 =	vpsel p1, v29, v8;
	v30 =	vpsel p1, v30, v7;
	v31 =	vpsel p1, v31, v6  }
0x163: {  	v32 =	vpsel p1, v32, v5;
	v33 =	vpsel p1, v33, v4;
	v34 =	vpsel p1, v34, v3  }
.Ltmp5:
0x164: {  	_ = 	snop;
	(pc) =	sbr.rel .LBB2_6-.Ltmp5, $1  }
0x165: {  	_ =	sdelay $0x3  }
.LBB2_8:
0x166: {  	_ =	sfence.sel $0x180000  }
0x167: {  	[bflag:$0x0] =	sbarrier.arrive $0xFFFF  }
0x168: {  	_ =	strace $0x90000047  }
0x169: {  	s0 =	sadd.s32 @!p0 $0x100000, s0;
	[bflag:$0x2] =	sbarrier.arrive $0xFFFF  }
0x16a: {  	[sflag:s0] =	ssyncadd.tile.s32 @!p0 $0x1;
	_ =	shalt  }
.Lfunc_end2:
_tile_overlayer_lowered:
.L_overlay_start_2:
0x16b: {  	(tag) =	ssettag $0x2  }
0x16c: {  	s0 =	rddreg [dreg:$0x0];
	s2 =	stileid.u32  }
0x16d: {  	s1 =	rddreg [dreg:$0x1];
	p0 =	sne.s32 s2, $0x0  }
0x16e: {  	s3 =	rddreg [dreg:$0x2];
	[bflag:$0x3] =	sbarrier.arrive $0xFFFF;
	s2 =	simm.s32 @!p0 $0x1C04  }
0x16f: {  	[timem:s3], [sflag:s2] =	dma.local @!p0 [hbm:s0], s1  }
0x170: {  	s0 =	simm.s32 @!p0 $0x4  }
0x171: {  	_ =	swait.ge @!p0 [sflag:s0], s1  }
0x172: {  	s1 =	ssub.s32 @!p0 $0x0, s1;
	[sflag:s0] =	ssyncset.done @!p0 $0x0  }
0x173: {  	[sflag:s0] =	ssyncadd.s32 @!p0 s1  }
0x174: {  	[bflag:$0x3] =	sbarrier.arrive $0xFFFF  }
0x175: {  	_ =	shalt  }

</sc_bundles>
